<compile_context>
chip_gen: v7x
topology: tpu7x:2x2x1
jax: 0.10.2.dev20260603
libtpu: 0.0.44.dev20260713+nightly
codegen_flags: <defaults>
</compile_context>

<pallas_src>
import jax
import jax.numpy as jnp
from jax import lax
from jax.experimental import pallas as pl
from jax.experimental.pallas import tpu as pltpu
from jax.experimental.pallas import tpu_sc as plsc

NUM_EMB = 4
EMB_DIM = 16
RANK = 8
L = 16
NC, NS = 2, 16
NW = NC * NS

CHUNK = 2048
NBUF = 2


def _body(idx_hbm, u_hbm, v_hbm, out_hbm, idx_bufs, out_bufs, uv, vv, tab,
          isems, osems):
    n_rows = idx_hbm.shape[0]
    per_w = n_rows // NW
    wid = lax.axis_index("s") * NC + lax.axis_index("c")
    base = wid * per_w

    pltpu.sync_copy(u_hbm, uv)
    pltpu.sync_copy(v_hbm, vv)
    lanes = lax.iota(jnp.int32, L)
    u_vecs = [uv[pl.ds(0, L)], uv[pl.ds(L, L)]]
    for e in range(NUM_EMB):
        acc = jnp.zeros((L,), jnp.float32)
        for r in range(RANK):
            flat = e * RANK + r
            acc = acc + u_vecs[flat // L][flat % L] * vv[r, :]
        plsc.store_scatter(tab, [lanes * EMB_DIM + e], acc)

    n_chunks = per_w // CHUNK
    n_pairs = n_chunks // NBUF
    groups = CHUNK // L

    lanes16_base = lanes * EMB_DIM
    ecols = [tab[pl.ds(d * EMB_DIM, L)] for d in range(EMB_DIM)]

    def idx_copy(c, b):
        return pltpu.make_async_copy(
            idx_hbm.at[pl.ds(base + c * CHUNK, CHUNK)], idx_bufs[b], isems[b]
        )

    def out_copy(c, b):
        return pltpu.make_async_copy(
            out_bufs[b],
            out_hbm.at[pl.ds((base + c * CHUNK) * EMB_DIM, CHUNK * EMB_DIM)],
            osems[b],
        )

    for b in range(NBUF):
        idx_copy(b, b).start()

    def pair_body(p, _):
        for b in range(NBUF):
            c = p * NBUF + b
            idx_copy(c, b).wait()

            @pl.when(p > 0)
            def _():
                out_copy(c - NBUF, b).wait()

            @plsc.parallel_loop(0, groups, step=1, unroll=4)
            def group_body(g):
                idx_v = idx_bufs[b][pl.ds(g * L, L)]
                gbase = g * (L * EMB_DIM)
                for d in range(EMB_DIM):
                    col = lax.gather(
                        ecols[d],
                        idx_v[:, None],
                        dimension_numbers=lax.GatherDimensionNumbers(
                            offset_dims=(),
                            collapsed_slice_dims=(0,),
                            start_index_map=(0,),
                        ),
                        slice_sizes=(1,),
                        mode=lax.GatherScatterMode.PROMISE_IN_BOUNDS,
                    )
                    plsc.store_scatter(
                        out_bufs[b], [lanes16_base + (gbase + d)], col
                    )

            @pl.when(p + 1 < n_pairs)
            def _():
                idx_copy(c + NBUF, b).start()

            out_copy(c, b).start()
        return 0

    lax.fori_loop(0, n_pairs, pair_body, 0)
    for b in range(NBUF):
        out_copy(n_chunks - NBUF + b, b).wait()


def kernel(idx, U, V):
    B, Lseq = idx.shape
    n = B * Lseq
    idx_flat = idx.reshape(n).astype(jnp.int32)

    mesh = plsc.VectorSubcoreMesh(
        core_axis_name="c", subcore_axis_name="s", num_cores=NC, num_subcores=NS
    )
    run = pl.kernel(
        _body,
        out_type=jax.ShapeDtypeStruct((n * EMB_DIM,), jnp.float32),
        mesh=mesh,
        compiler_params=pltpu.CompilerParams(needs_layout_passes=False),
        scratch_types=[
            [pltpu.VMEM((CHUNK,), jnp.int32) for _ in range(NBUF)],
            [pltpu.VMEM((CHUNK * EMB_DIM,), jnp.float32) for _ in range(NBUF)],
            pltpu.VMEM((NUM_EMB * RANK,), jnp.float32),
            pltpu.VMEM((RANK, EMB_DIM), jnp.float32),
            pltpu.VMEM((EMB_DIM * EMB_DIM,), jnp.float32),
            [pltpu.SemaphoreType.DMA for _ in range(NBUF)],
            [pltpu.SemaphoreType.DMA for _ in range(NBUF)],
        ],
    )
    out = run(idx_flat, U.reshape(NUM_EMB * RANK), V)
    return out.reshape(B, Lseq, EMB_DIM)

# --- scband reference (transcript-rebuilt; emitter-appended) ---
"""Pipeline reference for scband-model-90675349553695 (READ-ONLY COPY).

The authoritative reference and input builder live on the scoring server;
editing this copy changes nothing except your own understanding.
"""

import jax, jax.numpy as jnp
import numpy as np

NUM_EMB = 4
EMB_DIM = 16
RANK = 8

def setup_inputs(seed: int = 0) -> dict:
    key = jax.random.key(seed)
    k1, k2, k3 = jax.random.split(key, 3)
    idx = jax.random.randint(k1, (16384, 200), 0, NUM_EMB, dtype=jnp.int64)
    # Low-rank factorized embedding parameters: U [num_embeddings, rank], V [rank, embedding_dim]
    U = jax.random.normal(k2, (NUM_EMB, RANK), dtype=jnp.float32)
    V = jax.random.normal(k3, (RANK, EMB_DIM), dtype=jnp.float32)
    return {"idx": idx, "U": U, "V": V}

def reference(idx, U, V):
    # Factorized (low-rank) embedding lookup: gather rows of U, then project with V.
    low = jnp.take(U, idx, axis=0)          # [B, L, rank]
    embs = jnp.einsum('blr,rd->bld', low, V)  # [B, L, embedding_dim]
    return embs

if __name__ == "__main__":
    import jax
    _d = setup_inputs()
    print(jax.jit(kernel)(*tuple(_d.values())))

</pallas_src>

<mosaic_0001>
#map = affine_map<(d0, d1) -> (0)>
#map1 = affine_map<(d0, d1) -> (0, 0)>
module attributes {stable_mosaic.version = 14 : i64} {
  func.func @_body(%arg0: i32, %arg1: i32, %arg2: memref<3276800xi32, #tpu.memory_space<hbm>>, %arg3: memref<32xf32, #tpu.memory_space<hbm>>, %arg4: memref<8x16xf32, #tpu.memory_space<hbm>>, %arg5: memref<52428800xf32, #tpu.memory_space<hbm>>, %arg6: memref<2048xi32, #tpu.memory_space<vmem>>, %arg7: memref<2048xi32, #tpu.memory_space<vmem>>, %arg8: memref<32768xf32, #tpu.memory_space<vmem>>, %arg9: memref<32768xf32, #tpu.memory_space<vmem>>, %arg10: memref<32xf32, #tpu.memory_space<vmem>>, %arg11: memref<8x16xf32, #tpu.memory_space<vmem>>, %arg12: memref<256xf32, #tpu.memory_space<vmem>>, %arg13: memref<!tpu.dma_semaphore, #tpu.memory_space<semaphore_mem>>, %arg14: memref<!tpu.dma_semaphore, #tpu.memory_space<semaphore_mem>>, %arg15: memref<!tpu.dma_semaphore, #tpu.memory_space<semaphore_mem>>, %arg16: memref<!tpu.dma_semaphore, #tpu.memory_space<semaphore_mem>>) attributes {dimension_semantics = [#tpu.dimension_semantics<core_parallel>, #tpu.dimension_semantics<subcore_parallel>], iteration_bounds = array<i64: 2, 16>, scalar_prefetch = 0 : i64, scratch_operands = 11 : i64, tpu.core_type = #tpu.core_type<sc_vector_subcore>, window_params = [{transform_indices = #map}, {transform_indices = #map}, {transform_indices = #map1}, {transform_indices = #map}]} {
    %mul3A = arith.constant 2 : i32
    %mul3A_0 = arith.muli %arg1, %mul3A : i32
    %add3A = arith.addi %mul3A_0, %arg0 : i32
    %mul3A_1 = arith.constant 102400 : i32
    %mul3A_2 = arith.muli %add3A, %mul3A_1 : i32
    "tpu.region"() ({
      %run_scoped3A = tpu.sem_alloc : memref<!tpu.dma_semaphore, #tpu.memory_space<semaphore_mem>>
      tpu.enqueue_dma source(%arg3 : memref<32xf32, #tpu.memory_space<hbm>>) target(%arg10 : memref<32xf32, #tpu.memory_space<vmem>>) target_semaphore(%run_scoped3A : memref<!tpu.dma_semaphore, #tpu.memory_space<semaphore_mem>>)
      tpu.wait_dma2 semaphore(%run_scoped3A : memref<!tpu.dma_semaphore, #tpu.memory_space<semaphore_mem>>) src(%arg3 : memref<32xf32, #tpu.memory_space<hbm>>) dst(%arg10 : memref<32xf32, #tpu.memory_space<vmem>>)
      tpu.yield
    }) : () -> ()
    "tpu.region"() ({
      %run_scoped3A = tpu.sem_alloc : memref<!tpu.dma_semaphore, #tpu.memory_space<semaphore_mem>>
      tpu.enqueue_dma source(%arg4 : memref<8x16xf32, #tpu.memory_space<hbm>>) target(%arg11 : memref<8x16xf32, #tpu.memory_space<vmem>>) target_semaphore(%run_scoped3A : memref<!tpu.dma_semaphore, #tpu.memory_space<semaphore_mem>>)
      tpu.wait_dma2 semaphore(%run_scoped3A : memref<!tpu.dma_semaphore, #tpu.memory_space<semaphore_mem>>) src(%arg4 : memref<8x16xf32, #tpu.memory_space<hbm>>) dst(%arg11 : memref<8x16xf32, #tpu.memory_space<vmem>>)
      tpu.yield
    }) : () -> ()
    %iota3A = tpu.iota {dimensions = array<i32: 0>} : vector<16xi32>
    %get3A = arith.constant 0 : index
    %get3A_3 = tpu.vector_load %arg10[%get3A] {strides = array<i32>} : memref<32xf32, #tpu.memory_space<vmem>>, vector<16xf32>,
    %get3A_4 = arith.constant 16 : index
    %get3A_5 = tpu.vector_load %arg10[%get3A_4] {strides = array<i32>} : memref<32xf32, #tpu.memory_space<vmem>>, vector<16xf32>,
    %broadcast_in_dim3A = arith.constant 0.000000e+00 : f32
    %broadcast_in_dim3A_6 = vector.broadcast %broadcast_in_dim3A : f32 to vector<16xf32>
    %slice3A = vector.extract_strided_slice %get3A_3 {offsets = [0], sizes = [1], strides = [1]} : vector<16xf32> to vector<1xf32>
    %squeeze3A = vector.extract %slice3A[0] : f32 from vector<1xf32>
    %get3A_7 = arith.constant 0 : i32
    %get3A_8 = arith.index_cast %get3A_7 : i32 to index
    %get3A_9 = arith.constant 0 : index
    %get3A_10 = tpu.vector_load %arg11[%get3A_8, %get3A_9] {strides = array<i32>} : memref<8x16xf32, #tpu.memory_space<vmem>>, vector<16xf32>,
    %mul3A_11 = vector.broadcast %squeeze3A : f32 to vector<16xf32>
    %mul3A_12 = arith.mulf %mul3A_11, %get3A_10 : vector<16xf32>
    %add3A_13 = arith.addf %broadcast_in_dim3A_6, %mul3A_12 : vector<16xf32>
    %slice3A_14 = vector.extract_strided_slice %get3A_3 {offsets = [1], sizes = [1], strides = [1]} : vector<16xf32> to vector<1xf32>
    %squeeze3A_15 = vector.extract %slice3A_14[0] : f32 from vector<1xf32>
    %get3A_16 = arith.constant 1 : i32
    %get3A_17 = arith.index_cast %get3A_16 : i32 to index
    %get3A_18 = arith.constant 0 : index
    %get3A_19 = tpu.vector_load %arg11[%get3A_17, %get3A_18] {strides = array<i32>} : memref<8x16xf32, #tpu.memory_space<vmem>>, vector<16xf32>,
    %mul3A_20 = vector.broadcast %squeeze3A_15 : f32 to vector<16xf32>
    %mul3A_21 = arith.mulf %mul3A_20, %get3A_19 : vector<16xf32>
    %add3A_22 = arith.addf %add3A_13, %mul3A_21 : vector<16xf32>
    %slice3A_23 = vector.extract_strided_slice %get3A_3 {offsets = [2], sizes = [1], strides = [1]} : vector<16xf32> to vector<1xf32>
    %squeeze3A_24 = vector.extract %slice3A_23[0] : f32 from vector<1xf32>
    %get3A_25 = arith.constant 2 : i32
    %get3A_26 = arith.index_cast %get3A_25 : i32 to index
    %get3A_27 = arith.constant 0 : index
    %get3A_28 = tpu.vector_load %arg11[%get3A_26, %get3A_27] {strides = array<i32>} : memref<8x16xf32, #tpu.memory_space<vmem>>, vector<16xf32>,
    %mul3A_29 = vector.broadcast %squeeze3A_24 : f32 to vector<16xf32>
    %mul3A_30 = arith.mulf %mul3A_29, %get3A_28 : vector<16xf32>
    %add3A_31 = arith.addf %add3A_22, %mul3A_30 : vector<16xf32>
    %slice3A_32 = vector.extract_strided_slice %get3A_3 {offsets = [3], sizes = [1], strides = [1]} : vector<16xf32> to vector<1xf32>
    %squeeze3A_33 = vector.extract %slice3A_32[0] : f32 from vector<1xf32>
    %get3A_34 = arith.constant 3 : i32
    %get3A_35 = arith.index_cast %get3A_34 : i32 to index
    %get3A_36 = arith.constant 0 : index
    %get3A_37 = tpu.vector_load %arg11[%get3A_35, %get3A_36] {strides = array<i32>} : memref<8x16xf32, #tpu.memory_space<vmem>>, vector<16xf32>,
    %mul3A_38 = vector.broadcast %squeeze3A_33 : f32 to vector<16xf32>
    %mul3A_39 = arith.mulf %mul3A_38, %get3A_37 : vector<16xf32>
    %add3A_40 = arith.addf %add3A_31, %mul3A_39 : vector<16xf32>
    %slice3A_41 = vector.extract_strided_slice %get3A_3 {offsets = [4], sizes = [1], strides = [1]} : vector<16xf32> to vector<1xf32>
    %squeeze3A_42 = vector.extract %slice3A_41[0] : f32 from vector<1xf32>
    %get3A_43 = arith.constant 4 : i32
    %get3A_44 = arith.index_cast %get3A_43 : i32 to index
    %get3A_45 = arith.constant 0 : index
    %get3A_46 = tpu.vector_load %arg11[%get3A_44, %get3A_45] {strides = array<i32>} : memref<8x16xf32, #tpu.memory_space<vmem>>, vector<16xf32>,
    %mul3A_47 = vector.broadcast %squeeze3A_42 : f32 to vector<16xf32>
    %mul3A_48 = arith.mulf %mul3A_47, %get3A_46 : vector<16xf32>
    %add3A_49 = arith.addf %add3A_40, %mul3A_48 : vector<16xf32>
    %slice3A_50 = vector.extract_strided_slice %get3A_3 {offsets = [5], sizes = [1], strides = [1]} : vector<16xf32> to vector<1xf32>
    %squeeze3A_51 = vector.extract %slice3A_50[0] : f32 from vector<1xf32>
    %get3A_52 = arith.constant 5 : i32
    %get3A_53 = arith.index_cast %get3A_52 : i32 to index
    %get3A_54 = arith.constant 0 : index
    %get3A_55 = tpu.vector_load %arg11[%get3A_53, %get3A_54] {strides = array<i32>} : memref<8x16xf32, #tpu.memory_space<vmem>>, vector<16xf32>,
    %mul3A_56 = vector.broadcast %squeeze3A_51 : f32 to vector<16xf32>
    %mul3A_57 = arith.mulf %mul3A_56, %get3A_55 : vector<16xf32>
    %add3A_58 = arith.addf %add3A_49, %mul3A_57 : vector<16xf32>
    %slice3A_59 = vector.extract_strided_slice %get3A_3 {offsets = [6], sizes = [1], strides = [1]} : vector<16xf32> to vector<1xf32>
    %squeeze3A_60 = vector.extract %slice3A_59[0] : f32 from vector<1xf32>
    %get3A_61 = arith.constant 6 : i32
    %get3A_62 = arith.index_cast %get3A_61 : i32 to index
    %get3A_63 = arith.constant 0 : index
    %get3A_64 = tpu.vector_load %arg11[%get3A_62, %get3A_63] {strides = array<i32>} : memref<8x16xf32, #tpu.memory_space<vmem>>, vector<16xf32>,
    %mul3A_65 = vector.broadcast %squeeze3A_60 : f32 to vector<16xf32>
    %mul3A_66 = arith.mulf %mul3A_65, %get3A_64 : vector<16xf32>
    %add3A_67 = arith.addf %add3A_58, %mul3A_66 : vector<16xf32>
    %slice3A_68 = vector.extract_strided_slice %get3A_3 {offsets = [7], sizes = [1], strides = [1]} : vector<16xf32> to vector<1xf32>
    %squeeze3A_69 = vector.extract %slice3A_68[0] : f32 from vector<1xf32>
    %get3A_70 = arith.constant 7 : i32
    %get3A_71 = arith.index_cast %get3A_70 : i32 to index
    %get3A_72 = arith.constant 0 : index
    %get3A_73 = tpu.vector_load %arg11[%get3A_71, %get3A_72] {strides = array<i32>} : memref<8x16xf32, #tpu.memory_space<vmem>>, vector<16xf32>,
    %mul3A_74 = vector.broadcast %squeeze3A_69 : f32 to vector<16xf32>
    %mul3A_75 = arith.mulf %mul3A_74, %get3A_73 : vector<16xf32>
    %add3A_76 = arith.addf %add3A_67, %mul3A_75 : vector<16xf32>
    %mul3A_77 = arith.constant 16 : i32
    %mul3A_78 = vector.broadcast %mul3A_77 : i32 to vector<16xi32>
    %mul3A_79 = arith.muli %iota3A, %mul3A_78 : vector<16xi32>
    %add3A_80 = arith.constant 0 : i32
    %add3A_81 = vector.broadcast %add3A_80 : i32 to vector<16xi32>
    %add3A_82 = arith.addi %mul3A_79, %add3A_81 : vector<16xi32>
    tpu.vector_store_idx %arg12[%add3A_82], %add3A_76 : memref<256xf32, #tpu.memory_space<vmem>>[vector<16xi32>], vector<16xf32>,
    %broadcast_in_dim3A_83 = arith.constant 0.000000e+00 : f32
    %broadcast_in_dim3A_84 = vector.broadcast %broadcast_in_dim3A_83 : f32 to vector<16xf32>
    %slice3A_85 = vector.extract_strided_slice %get3A_3 {offsets = [8], sizes = [1], strides = [1]} : vector<16xf32> to vector<1xf32>
    %squeeze3A_86 = vector.extract %slice3A_85[0] : f32 from vector<1xf32>
    %get3A_87 = arith.constant 0 : i32
    %get3A_88 = arith.index_cast %get3A_87 : i32 to index
    %get3A_89 = arith.constant 0 : index
    %get3A_90 = tpu.vector_load %arg11[%get3A_88, %get3A_89] {strides = array<i32>} : memref<8x16xf32, #tpu.memory_space<vmem>>, vector<16xf32>,
    %mul3A_91 = vector.broadcast %squeeze3A_86 : f32 to vector<16xf32>
    %mul3A_92 = arith.mulf %mul3A_91, %get3A_90 : vector<16xf32>
    %add3A_93 = arith.addf %broadcast_in_dim3A_84, %mul3A_92 : vector<16xf32>
    %slice3A_94 = vector.extract_strided_slice %get3A_3 {offsets = [9], sizes = [1], strides = [1]} : vector<16xf32> to vector<1xf32>
    %squeeze3A_95 = vector.extract %slice3A_94[0] : f32 from vector<1xf32>
    %get3A_96 = arith.constant 1 : i32
    %get3A_97 = arith.index_cast %get3A_96 : i32 to index
    %get3A_98 = arith.constant 0 : index
    %get3A_99 = tpu.vector_load %arg11[%get3A_97, %get3A_98] {strides = array<i32>} : memref<8x16xf32, #tpu.memory_space<vmem>>, vector<16xf32>,
    %mul3A_100 = vector.broadcast %squeeze3A_95 : f32 to vector<16xf32>
    %mul3A_101 = arith.mulf %mul3A_100, %get3A_99 : vector<16xf32>
    %add3A_102 = arith.addf %add3A_93, %mul3A_101 : vector<16xf32>
    %slice3A_103 = vector.extract_strided_slice %get3A_3 {offsets = [10], sizes = [1], strides = [1]} : vector<16xf32> to vector<1xf32>
    %squeeze3A_104 = vector.extract %slice3A_103[0] : f32 from vector<1xf32>
    %get3A_105 = arith.constant 2 : i32
    %get3A_106 = arith.index_cast %get3A_105 : i32 to index
    %get3A_107 = arith.constant 0 : index
    %get3A_108 = tpu.vector_load %arg11[%get3A_106, %get3A_107] {strides = array<i32>} : memref<8x16xf32, #tpu.memory_space<vmem>>, vector<16xf32>,
    %mul3A_109 = vector.broadcast %squeeze3A_104 : f32 to vector<16xf32>
    %mul3A_110 = arith.mulf %mul3A_109, %get3A_108 : vector<16xf32>
    %add3A_111 = arith.addf %add3A_102, %mul3A_110 : vector<16xf32>
    %slice3A_112 = vector.extract_strided_slice %get3A_3 {offsets = [11], sizes = [1], strides = [1]} : vector<16xf32> to vector<1xf32>
    %squeeze3A_113 = vector.extract %slice3A_112[0] : f32 from vector<1xf32>
    %get3A_114 = arith.constant 3 : i32
    %get3A_115 = arith.index_cast %get3A_114 : i32 to index
    %get3A_116 = arith.constant 0 : index
    %get3A_117 = tpu.vector_load %arg11[%get3A_115, %get3A_116] {strides = array<i32>} : memref<8x16xf32, #tpu.memory_space<vmem>>, vector<16xf32>,
    %mul3A_118 = vector.broadcast %squeeze3A_113 : f32 to vector<16xf32>
    %mul3A_119 = arith.mulf %mul3A_118, %get3A_117 : vector<16xf32>
    %add3A_120 = arith.addf %add3A_111, %mul3A_119 : vector<16xf32>
    %slice3A_121 = vector.extract_strided_slice %get3A_3 {offsets = [12], sizes = [1], strides = [1]} : vector<16xf32> to vector<1xf32>
    %squeeze3A_122 = vector.extract %slice3A_121[0] : f32 from vector<1xf32>
    %get3A_123 = arith.constant 4 : i32
    %get3A_124 = arith.index_cast %get3A_123 : i32 to index
    %get3A_125 = arith.constant 0 : index
    %get3A_126 = tpu.vector_load %arg11[%get3A_124, %get3A_125] {strides = array<i32>} : memref<8x16xf32, #tpu.memory_space<vmem>>, vector<16xf32>,
    %mul3A_127 = vector.broadcast %squeeze3A_122 : f32 to vector<16xf32>
    %mul3A_128 = arith.mulf %mul3A_127, %get3A_126 : vector<16xf32>
    %add3A_129 = arith.addf %add3A_120, %mul3A_128 : vector<16xf32>
    %slice3A_130 = vector.extract_strided_slice %get3A_3 {offsets = [13], sizes = [1], strides = [1]} : vector<16xf32> to vector<1xf32>
    %squeeze3A_131 = vector.extract %slice3A_130[0] : f32 from vector<1xf32>
    %get3A_132 = arith.constant 5 : i32
    %get3A_133 = arith.index_cast %get3A_132 : i32 to index
    %get3A_134 = arith.constant 0 : index
    %get3A_135 = tpu.vector_load %arg11[%get3A_133, %get3A_134] {strides = array<i32>} : memref<8x16xf32, #tpu.memory_space<vmem>>, vector<16xf32>,
    %mul3A_136 = vector.broadcast %squeeze3A_131 : f32 to vector<16xf32>
    %mul3A_137 = arith.mulf %mul3A_136, %get3A_135 : vector<16xf32>
    %add3A_138 = arith.addf %add3A_129, %mul3A_137 : vector<16xf32>
    %slice3A_139 = vector.extract_strided_slice %get3A_3 {offsets = [14], sizes = [1], strides = [1]} : vector<16xf32> to vector<1xf32>
    %squeeze3A_140 = vector.extract %slice3A_139[0] : f32 from vector<1xf32>
    %get3A_141 = arith.constant 6 : i32
    %get3A_142 = arith.index_cast %get3A_141 : i32 to index
    %get3A_143 = arith.constant 0 : index
    %get3A_144 = tpu.vector_load %arg11[%get3A_142, %get3A_143] {strides = array<i32>} : memref<8x16xf32, #tpu.memory_space<vmem>>, vector<16xf32>,
    %mul3A_145 = vector.broadcast %squeeze3A_140 : f32 to vector<16xf32>
    %mul3A_146 = arith.mulf %mul3A_145, %get3A_144 : vector<16xf32>
    %add3A_147 = arith.addf %add3A_138, %mul3A_146 : vector<16xf32>
    %slice3A_148 = vector.extract_strided_slice %get3A_3 {offsets = [15], sizes = [1], strides = [1]} : vector<16xf32> to vector<1xf32>
    %squeeze3A_149 = vector.extract %slice3A_148[0] : f32 from vector<1xf32>
    %get3A_150 = arith.constant 7 : i32
    %get3A_151 = arith.index_cast %get3A_150 : i32 to index
    %get3A_152 = arith.constant 0 : index
    %get3A_153 = tpu.vector_load %arg11[%get3A_151, %get3A_152] {strides = array<i32>} : memref<8x16xf32, #tpu.memory_space<vmem>>, vector<16xf32>,
    %mul3A_154 = vector.broadcast %squeeze3A_149 : f32 to vector<16xf32>
    %mul3A_155 = arith.mulf %mul3A_154, %get3A_153 : vector<16xf32>
    %add3A_156 = arith.addf %add3A_147, %mul3A_155 : vector<16xf32>
    %mul3A_157 = arith.constant 16 : i32
    %mul3A_158 = vector.broadcast %mul3A_157 : i32 to vector<16xi32>
    %mul3A_159 = arith.muli %iota3A, %mul3A_158 : vector<16xi32>
    %add3A_160 = arith.constant 1 : i32
    %add3A_161 = vector.broadcast %add3A_160 : i32 to vector<16xi32>
    %add3A_162 = arith.addi %mul3A_159, %add3A_161 : vector<16xi32>
    tpu.vector_store_idx %arg12[%add3A_162], %add3A_156 : memref<256xf32, #tpu.memory_space<vmem>>[vector<16xi32>], vector<16xf32>,
    %broadcast_in_dim3A_163 = arith.constant 0.000000e+00 : f32
    %broadcast_in_dim3A_164 = vector.broadcast %broadcast_in_dim3A_163 : f32 to vector<16xf32>
    %slice3A_165 = vector.extract_strided_slice %get3A_5 {offsets = [0], sizes = [1], strides = [1]} : vector<16xf32> to vector<1xf32>
    %squeeze3A_166 = vector.extract %slice3A_165[0] : f32 from vector<1xf32>
    %get3A_167 = arith.constant 0 : i32
    %get3A_168 = arith.index_cast %get3A_167 : i32 to index
    %get3A_169 = arith.constant 0 : index
    %get3A_170 = tpu.vector_load %arg11[%get3A_168, %get3A_169] {strides = array<i32>} : memref<8x16xf32, #tpu.memory_space<vmem>>, vector<16xf32>,
    %mul3A_171 = vector.broadcast %squeeze3A_166 : f32 to vector<16xf32>
    %mul3A_172 = arith.mulf %mul3A_171, %get3A_170 : vector<16xf32>
    %add3A_173 = arith.addf %broadcast_in_dim3A_164, %mul3A_172 : vector<16xf32>
    %slice3A_174 = vector.extract_strided_slice %get3A_5 {offsets = [1], sizes = [1], strides = [1]} : vector<16xf32> to vector<1xf32>
    %squeeze3A_175 = vector.extract %slice3A_174[0] : f32 from vector<1xf32>
    %get3A_176 = arith.constant 1 : i32
    %get3A_177 = arith.index_cast %get3A_176 : i32 to index
    %get3A_178 = arith.constant 0 : index
    %get3A_179 = tpu.vector_load %arg11[%get3A_177, %get3A_178] {strides = array<i32>} : memref<8x16xf32, #tpu.memory_space<vmem>>, vector<16xf32>,
    %mul3A_180 = vector.broadcast %squeeze3A_175 : f32 to vector<16xf32>
    %mul3A_181 = arith.mulf %mul3A_180, %get3A_179 : vector<16xf32>
    %add3A_182 = arith.addf %add3A_173, %mul3A_181 : vector<16xf32>
    %slice3A_183 = vector.extract_strided_slice %get3A_5 {offsets = [2], sizes = [1], strides = [1]} : vector<16xf32> to vector<1xf32>
    %squeeze3A_184 = vector.extract %slice3A_183[0] : f32 from vector<1xf32>
    %get3A_185 = arith.constant 2 : i32
    %get3A_186 = arith.index_cast %get3A_185 : i32 to index
    %get3A_187 = arith.constant 0 : index
    %get3A_188 = tpu.vector_load %arg11[%get3A_186, %get3A_187] {strides = array<i32>} : memref<8x16xf32, #tpu.memory_space<vmem>>, vector<16xf32>,
    %mul3A_189 = vector.broadcast %squeeze3A_184 : f32 to vector<16xf32>
    %mul3A_190 = arith.mulf %mul3A_189, %get3A_188 : vector<16xf32>
    %add3A_191 = arith.addf %add3A_182, %mul3A_190 : vector<16xf32>
    %slice3A_192 = vector.extract_strided_slice %get3A_5 {offsets = [3], sizes = [1], strides = [1]} : vector<16xf32> to vector<1xf32>
    %squeeze3A_193 = vector.extract %slice3A_192[0] : f32 from vector<1xf32>
    %get3A_194 = arith.constant 3 : i32
    %get3A_195 = arith.index_cast %get3A_194 : i32 to index
    %get3A_196 = arith.constant 0 : index
    %get3A_197 = tpu.vector_load %arg11[%get3A_195, %get3A_196] {strides = array<i32>} : memref<8x16xf32, #tpu.memory_space<vmem>>, vector<16xf32>,
    %mul3A_198 = vector.broadcast %squeeze3A_193 : f32 to vector<16xf32>
    %mul3A_199 = arith.mulf %mul3A_198, %get3A_197 : vector<16xf32>
    %add3A_200 = arith.addf %add3A_191, %mul3A_199 : vector<16xf32>
    %slice3A_201 = vector.extract_strided_slice %get3A_5 {offsets = [4], sizes = [1], strides = [1]} : vector<16xf32> to vector<1xf32>
    %squeeze3A_202 = vector.extract %slice3A_201[0] : f32 from vector<1xf32>
    %get3A_203 = arith.constant 4 : i32
    %get3A_204 = arith.index_cast %get3A_203 : i32 to index
    %get3A_205 = arith.constant 0 : index
    %get3A_206 = tpu.vector_load %arg11[%get3A_204, %get3A_205] {strides = array<i32>} : memref<8x16xf32, #tpu.memory_space<vmem>>, vector<16xf32>,
    %mul3A_207 = vector.broadcast %squeeze3A_202 : f32 to vector<16xf32>
    %mul3A_208 = arith.mulf %mul3A_207, %get3A_206 : vector<16xf32>
    %add3A_209 = arith.addf %add3A_200, %mul3A_208 : vector<16xf32>
    %slice3A_210 = vector.extract_strided_slice %get3A_5 {offsets = [5], sizes = [1], strides = [1]} : vector<16xf32> to vector<1xf32>
    %squeeze3A_211 = vector.extract %slice3A_210[0] : f32 from vector<1xf32>
    %get3A_212 = arith.constant 5 : i32
    %get3A_213 = arith.index_cast %get3A_212 : i32 to index
    %get3A_214 = arith.constant 0 : index
    %get3A_215 = tpu.vector_load %arg11[%get3A_213, %get3A_214] {strides = array<i32>} : memref<8x16xf32, #tpu.memory_space<vmem>>, vector<16xf32>,
    %mul3A_216 = vector.broadcast %squeeze3A_211 : f32 to vector<16xf32>
    %mul3A_217 = arith.mulf %mul3A_216, %get3A_215 : vector<16xf32>
    %add3A_218 = arith.addf %add3A_209, %mul3A_217 : vector<16xf32>
    %slice3A_219 = vector.extract_strided_slice %get3A_5 {offsets = [6], sizes = [1], strides = [1]} : vector<16xf32> to vector<1xf32>
    %squeeze3A_220 = vector.extract %slice3A_219[0] : f32 from vector<1xf32>
    %get3A_221 = arith.constant 6 : i32
    %get3A_222 = arith.index_cast %get3A_221 : i32 to index
    %get3A_223 = arith.constant 0 : index
    %get3A_224 = tpu.vector_load %arg11[%get3A_222, %get3A_223] {strides = array<i32>} : memref<8x16xf32, #tpu.memory_space<vmem>>, vector<16xf32>,
    %mul3A_225 = vector.broadcast %squeeze3A_220 : f32 to vector<16xf32>
    %mul3A_226 = arith.mulf %mul3A_225, %get3A_224 : vector<16xf32>
    %add3A_227 = arith.addf %add3A_218, %mul3A_226 : vector<16xf32>
    %slice3A_228 = vector.extract_strided_slice %get3A_5 {offsets = [7], sizes = [1], strides = [1]} : vector<16xf32> to vector<1xf32>
    %squeeze3A_229 = vector.extract %slice3A_228[0] : f32 from vector<1xf32>
    %get3A_230 = arith.constant 7 : i32
    %get3A_231 = arith.index_cast %get3A_230 : i32 to index
    %get3A_232 = arith.constant 0 : index
    %get3A_233 = tpu.vector_load %arg11[%get3A_231, %get3A_232] {strides = array<i32>} : memref<8x16xf32, #tpu.memory_space<vmem>>, vector<16xf32>,
    %mul3A_234 = vector.broadcast %squeeze3A_229 : f32 to vector<16xf32>
    %mul3A_235 = arith.mulf %mul3A_234, %get3A_233 : vector<16xf32>
    %add3A_236 = arith.addf %add3A_227, %mul3A_235 : vector<16xf32>
    %mul3A_237 = arith.constant 16 : i32
    %mul3A_238 = vector.broadcast %mul3A_237 : i32 to vector<16xi32>
    %mul3A_239 = arith.muli %iota3A, %mul3A_238 : vector<16xi32>
    %add3A_240 = arith.constant 2 : i32
    %add3A_241 = vector.broadcast %add3A_240 : i32 to vector<16xi32>
    %add3A_242 = arith.addi %mul3A_239, %add3A_241 : vector<16xi32>
    tpu.vector_store_idx %arg12[%add3A_242], %add3A_236 : memref<256xf32, #tpu.memory_space<vmem>>[vector<16xi32>], vector<16xf32>,
    %broadcast_in_dim3A_243 = arith.constant 0.000000e+00 : f32
    %broadcast_in_dim3A_244 = vector.broadcast %broadcast_in_dim3A_243 : f32 to vector<16xf32>
    %slice3A_245 = vector.extract_strided_slice %get3A_5 {offsets = [8], sizes = [1], strides = [1]} : vector<16xf32> to vector<1xf32>
    %squeeze3A_246 = vector.extract %slice3A_245[0] : f32 from vector<1xf32>
    %get3A_247 = arith.constant 0 : i32
    %get3A_248 = arith.index_cast %get3A_247 : i32 to index
    %get3A_249 = arith.constant 0 : index
    %get3A_250 = tpu.vector_load %arg11[%get3A_248, %get3A_249] {strides = array<i32>} : memref<8x16xf32, #tpu.memory_space<vmem>>, vector<16xf32>,
    %mul3A_251 = vector.broadcast %squeeze3A_246 : f32 to vector<16xf32>
    %mul3A_252 = arith.mulf %mul3A_251, %get3A_250 : vector<16xf32>
    %add3A_253 = arith.addf %broadcast_in_dim3A_244, %mul3A_252 : vector<16xf32>
    %slice3A_254 = vector.extract_strided_slice %get3A_5 {offsets = [9], sizes = [1], strides = [1]} : vector<16xf32> to vector<1xf32>
    %squeeze3A_255 = vector.extract %slice3A_254[0] : f32 from vector<1xf32>
    %get3A_256 = arith.constant 1 : i32
    %get3A_257 = arith.index_cast %get3A_256 : i32 to index
    %get3A_258 = arith.constant 0 : index
    %get3A_259 = tpu.vector_load %arg11[%get3A_257, %get3A_258] {strides = array<i32>} : memref<8x16xf32, #tpu.memory_space<vmem>>, vector<16xf32>,
    %mul3A_260 = vector.broadcast %squeeze3A_255 : f32 to vector<16xf32>
    %mul3A_261 = arith.mulf %mul3A_260, %get3A_259 : vector<16xf32>
    %add3A_262 = arith.addf %add3A_253, %mul3A_261 : vector<16xf32>
    %slice3A_263 = vector.extract_strided_slice %get3A_5 {offsets = [10], sizes = [1], strides = [1]} : vector<16xf32> to vector<1xf32>
    %squeeze3A_264 = vector.extract %slice3A_263[0] : f32 from vector<1xf32>
    %get3A_265 = arith.constant 2 : i32
    %get3A_266 = arith.index_cast %get3A_265 : i32 to index
    %get3A_267 = arith.constant 0 : index
    %get3A_268 = tpu.vector_load %arg11[%get3A_266, %get3A_267] {strides = array<i32>} : memref<8x16xf32, #tpu.memory_space<vmem>>, vector<16xf32>,
    %mul3A_269 = vector.broadcast %squeeze3A_264 : f32 to vector<16xf32>
    %mul3A_270 = arith.mulf %mul3A_269, %get3A_268 : vector<16xf32>
    %add3A_271 = arith.addf %add3A_262, %mul3A_270 : vector<16xf32>
    %slice3A_272 = vector.extract_strided_slice %get3A_5 {offsets = [11], sizes = [1], strides = [1]} : vector<16xf32> to vector<1xf32>
    %squeeze3A_273 = vector.extract %slice3A_272[0] : f32 from vector<1xf32>
    %get3A_274 = arith.constant 3 : i32
    %get3A_275 = arith.index_cast %get3A_274 : i32 to index
    %get3A_276 = arith.constant 0 : index
    %get3A_277 = tpu.vector_load %arg11[%get3A_275, %get3A_276] {strides = array<i32>} : memref<8x16xf32, #tpu.memory_space<vmem>>, vector<16xf32>,
    %mul3A_278 = vector.broadcast %squeeze3A_273 : f32 to vector<16xf32>
    %mul3A_279 = arith.mulf %mul3A_278, %get3A_277 : vector<16xf32>
    %add3A_280 = arith.addf %add3A_271, %mul3A_279 : vector<16xf32>
    %slice3A_281 = vector.extract_strided_slice %get3A_5 {offsets = [12], sizes = [1], strides = [1]} : vector<16xf32> to vector<1xf32>
    %squeeze3A_282 = vector.extract %slice3A_281[0] : f32 from vector<1xf32>
    %get3A_283 = arith.constant 4 : i32
    %get3A_284 = arith.index_cast %get3A_283 : i32 to index
    %get3A_285 = arith.constant 0 : index
    %get3A_286 = tpu.vector_load %arg11[%get3A_284, %get3A_285] {strides = array<i32>} : memref<8x16xf32, #tpu.memory_space<vmem>>, vector<16xf32>,
    %mul3A_287 = vector.broadcast %squeeze3A_282 : f32 to vector<16xf32>
    %mul3A_288 = arith.mulf %mul3A_287, %get3A_286 : vector<16xf32>
    %add3A_289 = arith.addf %add3A_280, %mul3A_288 : vector<16xf32>
    %slice3A_290 = vector.extract_strided_slice %get3A_5 {offsets = [13], sizes = [1], strides = [1]} : vector<16xf32> to vector<1xf32>
    %squeeze3A_291 = vector.extract %slice3A_290[0] : f32 from vector<1xf32>
    %get3A_292 = arith.constant 5 : i32
    %get3A_293 = arith.index_cast %get3A_292 : i32 to index
    %get3A_294 = arith.constant 0 : index
    %get3A_295 = tpu.vector_load %arg11[%get3A_293, %get3A_294] {strides = array<i32>} : memref<8x16xf32, #tpu.memory_space<vmem>>, vector<16xf32>,
    %mul3A_296 = vector.broadcast %squeeze3A_291 : f32 to vector<16xf32>
    %mul3A_297 = arith.mulf %mul3A_296, %get3A_295 : vector<16xf32>
    %add3A_298 = arith.addf %add3A_289, %mul3A_297 : vector<16xf32>
    %slice3A_299 = vector.extract_strided_slice %get3A_5 {offsets = [14], sizes = [1], strides = [1]} : vector<16xf32> to vector<1xf32>
    %squeeze3A_300 = vector.extract %slice3A_299[0] : f32 from vector<1xf32>
    %get3A_301 = arith.constant 6 : i32
    %get3A_302 = arith.index_cast %get3A_301 : i32 to index
    %get3A_303 = arith.constant 0 : index
    %get3A_304 = tpu.vector_load %arg11[%get3A_302, %get3A_303] {strides = array<i32>} : memref<8x16xf32, #tpu.memory_space<vmem>>, vector<16xf32>,
    %mul3A_305 = vector.broadcast %squeeze3A_300 : f32 to vector<16xf32>
    %mul3A_306 = arith.mulf %mul3A_305, %get3A_304 : vector<16xf32>
    %add3A_307 = arith.addf %add3A_298, %mul3A_306 : vector<16xf32>
    %slice3A_308 = vector.extract_strided_slice %get3A_5 {offsets = [15], sizes = [1], strides = [1]} : vector<16xf32> to vector<1xf32>
    %squeeze3A_309 = vector.extract %slice3A_308[0] : f32 from vector<1xf32>
    %get3A_310 = arith.constant 7 : i32
    %get3A_311 = arith.index_cast %get3A_310 : i32 to index
    %get3A_312 = arith.constant 0 : index
    %get3A_313 = tpu.vector_load %arg11[%get3A_311, %get3A_312] {strides = array<i32>} : memref<8x16xf32, #tpu.memory_space<vmem>>, vector<16xf32>,
    %mul3A_314 = vector.broadcast %squeeze3A_309 : f32 to vector<16xf32>
    %mul3A_315 = arith.mulf %mul3A_314, %get3A_313 : vector<16xf32>
    %add3A_316 = arith.addf %add3A_307, %mul3A_315 : vector<16xf32>
    %mul3A_317 = arith.constant 16 : i32
    %mul3A_318 = vector.broadcast %mul3A_317 : i32 to vector<16xi32>
    %mul3A_319 = arith.muli %iota3A, %mul3A_318 : vector<16xi32>
    %add3A_320 = arith.constant 3 : i32
    %add3A_321 = vector.broadcast %add3A_320 : i32 to vector<16xi32>
    %add3A_322 = arith.addi %mul3A_319, %add3A_321 : vector<16xi32>
    tpu.vector_store_idx %arg12[%add3A_322], %add3A_316 : memref<256xf32, #tpu.memory_space<vmem>>[vector<16xi32>], vector<16xf32>,
    %mul3A_323 = arith.constant 16 : i32
    %mul3A_324 = vector.broadcast %mul3A_323 : i32 to vector<16xi32>
    %mul3A_325 = arith.muli %iota3A, %mul3A_324 : vector<16xi32>
    %get3A_326 = arith.constant 0 : index
    %get3A_327 = tpu.vector_load %arg12[%get3A_326] {strides = array<i32>} : memref<256xf32, #tpu.memory_space<vmem>>, vector<16xf32>,
    %get3A_328 = arith.constant 16 : index
    %get3A_329 = tpu.vector_load %arg12[%get3A_328] {strides = array<i32>} : memref<256xf32, #tpu.memory_space<vmem>>, vector<16xf32>,
    %get3A_330 = arith.constant 32 : index
    %get3A_331 = tpu.vector_load %arg12[%get3A_330] {strides = array<i32>} : memref<256xf32, #tpu.memory_space<vmem>>, vector<16xf32>,
    %get3A_332 = arith.constant 48 : index
    %get3A_333 = tpu.vector_load %arg12[%get3A_332] {strides = array<i32>} : memref<256xf32, #tpu.memory_space<vmem>>, vector<16xf32>,
    %get3A_334 = arith.constant 64 : index
    %get3A_335 = tpu.vector_load %arg12[%get3A_334] {strides = array<i32>} : memref<256xf32, #tpu.memory_space<vmem>>, vector<16xf32>,
    %get3A_336 = arith.constant 80 : index
    %get3A_337 = tpu.vector_load %arg12[%get3A_336] {strides = array<i32>} : memref<256xf32, #tpu.memory_space<vmem>>, vector<16xf32>,
    %get3A_338 = arith.constant 96 : index
    %get3A_339 = tpu.vector_load %arg12[%get3A_338] {strides = array<i32>} : memref<256xf32, #tpu.memory_space<vmem>>, vector<16xf32>,
    %get3A_340 = arith.constant 112 : index
    %get3A_341 = tpu.vector_load %arg12[%get3A_340] {strides = array<i32>} : memref<256xf32, #tpu.memory_space<vmem>>, vector<16xf32>,
    %get3A_342 = arith.constant 128 : index
    %get3A_343 = tpu.vector_load %arg12[%get3A_342] {strides = array<i32>} : memref<256xf32, #tpu.memory_space<vmem>>, vector<16xf32>,
    %get3A_344 = arith.constant 144 : index
    %get3A_345 = tpu.vector_load %arg12[%get3A_344] {strides = array<i32>} : memref<256xf32, #tpu.memory_space<vmem>>, vector<16xf32>,
    %get3A_346 = arith.constant 160 : index
    %get3A_347 = tpu.vector_load %arg12[%get3A_346] {strides = array<i32>} : memref<256xf32, #tpu.memory_space<vmem>>, vector<16xf32>,
    %get3A_348 = arith.constant 176 : index
    %get3A_349 = tpu.vector_load %arg12[%get3A_348] {strides = array<i32>} : memref<256xf32, #tpu.memory_space<vmem>>, vector<16xf32>,
    %get3A_350 = arith.constant 192 : index
    %get3A_351 = tpu.vector_load %arg12[%get3A_350] {strides = array<i32>} : memref<256xf32, #tpu.memory_space<vmem>>, vector<16xf32>,
    %get3A_352 = arith.constant 208 : index
    %get3A_353 = tpu.vector_load %arg12[%get3A_352] {strides = array<i32>} : memref<256xf32, #tpu.memory_space<vmem>>, vector<16xf32>,
    %get3A_354 = arith.constant 224 : index
    %get3A_355 = tpu.vector_load %arg12[%get3A_354] {strides = array<i32>} : memref<256xf32, #tpu.memory_space<vmem>>, vector<16xf32>,
    %get3A_356 = arith.constant 240 : index
    %get3A_357 = tpu.vector_load %arg12[%get3A_356] {strides = array<i32>} : memref<256xf32, #tpu.memory_space<vmem>>, vector<16xf32>,
    %add3A_358 = arith.constant 0 : i32
    %add3A_359 = arith.addi %mul3A_2, %add3A_358 : i32
    %dma_start3A = tpu.memref_slice %arg2[%add3A_359] : memref<3276800xi32, #tpu.memory_space<hbm>> -> memref<2048xi32, #tpu.memory_space<hbm>>
    %dma_start3A_360 = tpu.memref_slice %arg2[%add3A_359] : memref<3276800xi32, #tpu.memory_space<hbm>> -> memref<2048xi32, #tpu.memory_space<hbm>>
    tpu.enqueue_dma source(%dma_start3A_360 : memref<2048xi32, #tpu.memory_space<hbm>>) target(%arg6 : memref<2048xi32, #tpu.memory_space<vmem>>) target_semaphore(%arg13 : memref<!tpu.dma_semaphore, #tpu.memory_space<semaphore_mem>>)
    %add3A_361 = arith.constant 2048 : i32
    %add3A_362 = arith.addi %mul3A_2, %add3A_361 : i32
    %dma_start3A_363 = tpu.memref_slice %arg2[%add3A_362] : memref<3276800xi32, #tpu.memory_space<hbm>> -> memref<2048xi32, #tpu.memory_space<hbm>>
    %dma_start3A_364 = tpu.memref_slice %arg2[%add3A_362] : memref<3276800xi32, #tpu.memory_space<hbm>> -> memref<2048xi32, #tpu.memory_space<hbm>>
    tpu.enqueue_dma source(%dma_start3A_364 : memref<2048xi32, #tpu.memory_space<hbm>>) target(%arg7 : memref<2048xi32, #tpu.memory_space<vmem>>) target_semaphore(%arg14 : memref<!tpu.dma_semaphore, #tpu.memory_space<semaphore_mem>>)
    %scan3A = arith.constant 0 : i32
    %scan3A_365 = arith.constant 0 : i32
    %scan3A_366 = arith.constant 25 : i32
    %scan3A_367 = arith.addi %scan3A_365, %scan3A_366 : i32
    %scan3A_368 = arith.constant 1 : i32
    %scan3A_369 = scf.for %scan3A_382 = %scan3A_365 to %scan3A_367 step %scan3A_368 iter_args(%scan3A_383 = %scan3A) -> (i32)  : i32 {
      %mul3A_384 = arith.constant 2 : i32
      %mul3A_385 = arith.muli %scan3A_382, %mul3A_384 : i32
      %add3A_386 = arith.constant 0 : i32
      %add3A_387 = arith.addi %mul3A_385, %add3A_386 : i32
      %mul3A_388 = arith.constant 2048 : i32
      %mul3A_389 = arith.muli %add3A_387, %mul3A_388 : i32
      %add3A_390 = arith.addi %mul3A_2, %mul3A_389 : i32
      %dma_wait3A_391 = tpu.memref_slice %arg2[%add3A_390] : memref<3276800xi32, #tpu.memory_space<hbm>> -> memref<2048xi32, #tpu.memory_space<hbm>>
      %dma_wait3A_392 = tpu.memref_slice %arg2[%add3A_390] : memref<3276800xi32, #tpu.memory_space<hbm>> -> memref<2048xi32, #tpu.memory_space<hbm>>
      tpu.wait_dma2 semaphore(%arg13 : memref<!tpu.dma_semaphore, #tpu.memory_space<semaphore_mem>>) src(%dma_wait3A_392 : memref<2048xi32, #tpu.memory_space<hbm>>) dst(%arg6 : memref<2048xi32, #tpu.memory_space<vmem>>)
      %gt3A = arith.constant 0 : i32
      %gt3A_393 = arith.cmpi sgt, %scan3A_382, %gt3A : i32
      %convert_element_type3A = arith.extui %gt3A_393 : i1 to i32
      %cond3A = arith.constant 0 : i32
      %cond3A_394 = arith.cmpi ne, %convert_element_type3A, %cond3A : i32
      scf.if %cond3A_394 {
        %sub3A = arith.constant 2 : i32
        %sub3A_442 = arith.subi %add3A_387, %sub3A : i32
        %mul3A_443 = arith.constant 2048 : i32
        %mul3A_444 = arith.muli %sub3A_442, %mul3A_443 : i32
        %add3A_445 = arith.addi %mul3A_2, %mul3A_444 : i32
        %mul3A_446 = arith.constant 16 : i32
        %mul3A_447 = arith.muli %add3A_445, %mul3A_446 : i32
        %dma_wait3A_448 = tpu.memref_slice %arg5[%mul3A_447] : memref<52428800xf32, #tpu.memory_space<hbm>> -> memref<32768xf32, #tpu.memory_space<hbm>>
        %dma_wait3A_449 = tpu.memref_slice %arg5[%mul3A_447] : memref<52428800xf32, #tpu.memory_space<hbm>> -> memref<32768xf32, #tpu.memory_space<hbm>>
        tpu.wait_dma2 semaphore(%arg15 : memref<!tpu.dma_semaphore, #tpu.memory_space<semaphore_mem>>) src(%arg8 : memref<32768xf32, #tpu.memory_space<vmem>>) dst(%dma_wait3A_449 : memref<32768xf32, #tpu.memory_space<hbm>>)
      } else {
      }
      %parallel_loop3A = arith.constant 0 : i32
      %parallel_loop3A_395 = arith.constant 128 : i32
      %parallel_loop3A_396 = arith.constant 1 : i32
      scf.for %parallel_loop3A_442 = %parallel_loop3A to %parallel_loop3A_395 step %parallel_loop3A_396  : i32 {
        %parallel_loop3A_443 = arith.constant 16 : i32
        %parallel_loop3A_444 = arith.muli %parallel_loop3A_442, %parallel_loop3A_443 : i32
        %parallel_loop3A_445 = arith.index_cast %parallel_loop3A_444 : i32 to index
        %parallel_loop3A_446 = tpu.vector_load %arg6[%parallel_loop3A_445] {strides = array<i32>} : memref<2048xi32, #tpu.memory_space<vmem>>, vector<16xi32>,
        %parallel_loop3A_447 = arith.constant 256 : i32
        %parallel_loop3A_448 = arith.muli %parallel_loop3A_442, %parallel_loop3A_447 : i32
        %parallel_loop3A_449 = vector.shape_cast %parallel_loop3A_446 : vector<16xi32> to vector<16x1xi32>
        %parallel_loop3A_450 = vector.shape_cast %parallel_loop3A_449 : vector<16x1xi32> to vector<16xi32>
        %parallel_loop3A_451 = tpu.dynamic_gather %get3A_327[%parallel_loop3A_450] in [0] : vector<16xf32>, vector<16xi32> -> vector<16xf32>
        %parallel_loop3A_452 = arith.constant 0 : i32
        %parallel_loop3A_453 = arith.addi %parallel_loop3A_448, %parallel_loop3A_452 : i32
        %parallel_loop3A_454 = vector.broadcast %parallel_loop3A_453 : i32 to vector<16xi32>
        %parallel_loop3A_455 = arith.addi %mul3A_325, %parallel_loop3A_454 : vector<16xi32>
        tpu.vector_store_idx %arg8[%parallel_loop3A_455], %parallel_loop3A_451 : memref<32768xf32, #tpu.memory_space<vmem>>[vector<16xi32>], vector<16xf32>,
        %parallel_loop3A_456 = vector.shape_cast %parallel_loop3A_446 : vector<16xi32> to vector<16x1xi32>
        %parallel_loop3A_457 = vector.shape_cast %parallel_loop3A_456 : vector<16x1xi32> to vector<16xi32>
        %parallel_loop3A_458 = tpu.dynamic_gather %get3A_329[%parallel_loop3A_457] in [0] : vector<16xf32>, vector<16xi32> -> vector<16xf32>
        %parallel_loop3A_459 = arith.constant 1 : i32
        %parallel_loop3A_460 = arith.addi %parallel_loop3A_448, %parallel_loop3A_459 : i32
        %parallel_loop3A_461 = vector.broadcast %parallel_loop3A_460 : i32 to vector<16xi32>
        %parallel_loop3A_462 = arith.addi %mul3A_325, %parallel_loop3A_461 : vector<16xi32>
        tpu.vector_store_idx %arg8[%parallel_loop3A_462], %parallel_loop3A_458 : memref<32768xf32, #tpu.memory_space<vmem>>[vector<16xi32>], vector<16xf32>,
        %parallel_loop3A_463 = vector.shape_cast %parallel_loop3A_446 : vector<16xi32> to vector<16x1xi32>
        %parallel_loop3A_464 = vector.shape_cast %parallel_loop3A_463 : vector<16x1xi32> to vector<16xi32>
        %parallel_loop3A_465 = tpu.dynamic_gather %get3A_331[%parallel_loop3A_464] in [0] : vector<16xf32>, vector<16xi32> -> vector<16xf32>
        %parallel_loop3A_466 = arith.constant 2 : i32
        %parallel_loop3A_467 = arith.addi %parallel_loop3A_448, %parallel_loop3A_466 : i32
        %parallel_loop3A_468 = vector.broadcast %parallel_loop3A_467 : i32 to vector<16xi32>
        %parallel_loop3A_469 = arith.addi %mul3A_325, %parallel_loop3A_468 : vector<16xi32>
        tpu.vector_store_idx %arg8[%parallel_loop3A_469], %parallel_loop3A_465 : memref<32768xf32, #tpu.memory_space<vmem>>[vector<16xi32>], vector<16xf32>,
        %parallel_loop3A_470 = vector.shape_cast %parallel_loop3A_446 : vector<16xi32> to vector<16x1xi32>
        %parallel_loop3A_471 = vector.shape_cast %parallel_loop3A_470 : vector<16x1xi32> to vector<16xi32>
        %parallel_loop3A_472 = tpu.dynamic_gather %get3A_333[%parallel_loop3A_471] in [0] : vector<16xf32>, vector<16xi32> -> vector<16xf32>
        %parallel_loop3A_473 = arith.constant 3 : i32
        %parallel_loop3A_474 = arith.addi %parallel_loop3A_448, %parallel_loop3A_473 : i32
        %parallel_loop3A_475 = vector.broadcast %parallel_loop3A_474 : i32 to vector<16xi32>
        %parallel_loop3A_476 = arith.addi %mul3A_325, %parallel_loop3A_475 : vector<16xi32>
        tpu.vector_store_idx %arg8[%parallel_loop3A_476], %parallel_loop3A_472 : memref<32768xf32, #tpu.memory_space<vmem>>[vector<16xi32>], vector<16xf32>,
        %parallel_loop3A_477 = vector.shape_cast %parallel_loop3A_446 : vector<16xi32> to vector<16x1xi32>
        %parallel_loop3A_478 = vector.shape_cast %parallel_loop3A_477 : vector<16x1xi32> to vector<16xi32>
        %parallel_loop3A_479 = tpu.dynamic_gather %get3A_335[%parallel_loop3A_478] in [0] : vector<16xf32>, vector<16xi32> -> vector<16xf32>
        %parallel_loop3A_480 = arith.constant 4 : i32
        %parallel_loop3A_481 = arith.addi %parallel_loop3A_448, %parallel_loop3A_480 : i32
        %parallel_loop3A_482 = vector.broadcast %parallel_loop3A_481 : i32 to vector<16xi32>
        %parallel_loop3A_483 = arith.addi %mul3A_325, %parallel_loop3A_482 : vector<16xi32>
        tpu.vector_store_idx %arg8[%parallel_loop3A_483], %parallel_loop3A_479 : memref<32768xf32, #tpu.memory_space<vmem>>[vector<16xi32>], vector<16xf32>,
        %parallel_loop3A_484 = vector.shape_cast %parallel_loop3A_446 : vector<16xi32> to vector<16x1xi32>
        %parallel_loop3A_485 = vector.shape_cast %parallel_loop3A_484 : vector<16x1xi32> to vector<16xi32>
        %parallel_loop3A_486 = tpu.dynamic_gather %get3A_337[%parallel_loop3A_485] in [0] : vector<16xf32>, vector<16xi32> -> vector<16xf32>
        %parallel_loop3A_487 = arith.constant 5 : i32
        %parallel_loop3A_488 = arith.addi %parallel_loop3A_448, %parallel_loop3A_487 : i32
        %parallel_loop3A_489 = vector.broadcast %parallel_loop3A_488 : i32 to vector<16xi32>
        %parallel_loop3A_490 = arith.addi %mul3A_325, %parallel_loop3A_489 : vector<16xi32>
        tpu.vector_store_idx %arg8[%parallel_loop3A_490], %parallel_loop3A_486 : memref<32768xf32, #tpu.memory_space<vmem>>[vector<16xi32>], vector<16xf32>,
        %parallel_loop3A_491 = vector.shape_cast %parallel_loop3A_446 : vector<16xi32> to vector<16x1xi32>
        %parallel_loop3A_492 = vector.shape_cast %parallel_loop3A_491 : vector<16x1xi32> to vector<16xi32>
        %parallel_loop3A_493 = tpu.dynamic_gather %get3A_339[%parallel_loop3A_492] in [0] : vector<16xf32>, vector<16xi32> -> vector<16xf32>
        %parallel_loop3A_494 = arith.constant 6 : i32
        %parallel_loop3A_495 = arith.addi %parallel_loop3A_448, %parallel_loop3A_494 : i32
        %parallel_loop3A_496 = vector.broadcast %parallel_loop3A_495 : i32 to vector<16xi32>
        %parallel_loop3A_497 = arith.addi %mul3A_325, %parallel_loop3A_496 : vector<16xi32>
        tpu.vector_store_idx %arg8[%parallel_loop3A_497], %parallel_loop3A_493 : memref<32768xf32, #tpu.memory_space<vmem>>[vector<16xi32>], vector<16xf32>,
        %parallel_loop3A_498 = vector.shape_cast %parallel_loop3A_446 : vector<16xi32> to vector<16x1xi32>
        %parallel_loop3A_499 = vector.shape_cast %parallel_loop3A_498 : vector<16x1xi32> to vector<16xi32>
        %parallel_loop3A_500 = tpu.dynamic_gather %get3A_341[%parallel_loop3A_499] in [0] : vector<16xf32>, vector<16xi32> -> vector<16xf32>
        %parallel_loop3A_501 = arith.constant 7 : i32
        %parallel_loop3A_502 = arith.addi %parallel_loop3A_448, %parallel_loop3A_501 : i32
        %parallel_loop3A_503 = vector.broadcast %parallel_loop3A_502 : i32 to vector<16xi32>
        %parallel_loop3A_504 = arith.addi %mul3A_325, %parallel_loop3A_503 : vector<16xi32>
        tpu.vector_store_idx %arg8[%parallel_loop3A_504], %parallel_loop3A_500 : memref<32768xf32, #tpu.memory_space<vmem>>[vector<16xi32>], vector<16xf32>,
        %parallel_loop3A_505 = vector.shape_cast %parallel_loop3A_446 : vector<16xi32> to vector<16x1xi32>
        %parallel_loop3A_506 = vector.shape_cast %parallel_loop3A_505 : vector<16x1xi32> to vector<16xi32>
        %parallel_loop3A_507 = tpu.dynamic_gather %get3A_343[%parallel_loop3A_506] in [0] : vector<16xf32>, vector<16xi32> -> vector<16xf32>
        %parallel_loop3A_508 = arith.constant 8 : i32
        %parallel_loop3A_509 = arith.addi %parallel_loop3A_448, %parallel_loop3A_508 : i32
        %parallel_loop3A_510 = vector.broadcast %parallel_loop3A_509 : i32 to vector<16xi32>
        %parallel_loop3A_511 = arith.addi %mul3A_325, %parallel_loop3A_510 : vector<16xi32>
        tpu.vector_store_idx %arg8[%parallel_loop3A_511], %parallel_loop3A_507 : memref<32768xf32, #tpu.memory_space<vmem>>[vector<16xi32>], vector<16xf32>,
        %parallel_loop3A_512 = vector.shape_cast %parallel_loop3A_446 : vector<16xi32> to vector<16x1xi32>
        %parallel_loop3A_513 = vector.shape_cast %parallel_loop3A_512 : vector<16x1xi32> to vector<16xi32>
        %parallel_loop3A_514 = tpu.dynamic_gather %get3A_345[%parallel_loop3A_513] in [0] : vector<16xf32>, vector<16xi32> -> vector<16xf32>
        %parallel_loop3A_515 = arith.constant 9 : i32
        %parallel_loop3A_516 = arith.addi %parallel_loop3A_448, %parallel_loop3A_515 : i32
        %parallel_loop3A_517 = vector.broadcast %parallel_loop3A_516 : i32 to vector<16xi32>
        %parallel_loop3A_518 = arith.addi %mul3A_325, %parallel_loop3A_517 : vector<16xi32>
        tpu.vector_store_idx %arg8[%parallel_loop3A_518], %parallel_loop3A_514 : memref<32768xf32, #tpu.memory_space<vmem>>[vector<16xi32>], vector<16xf32>,
        %parallel_loop3A_519 = vector.shape_cast %parallel_loop3A_446 : vector<16xi32> to vector<16x1xi32>
        %parallel_loop3A_520 = vector.shape_cast %parallel_loop3A_519 : vector<16x1xi32> to vector<16xi32>
        %parallel_loop3A_521 = tpu.dynamic_gather %get3A_347[%parallel_loop3A_520] in [0] : vector<16xf32>, vector<16xi32> -> vector<16xf32>
        %parallel_loop3A_522 = arith.constant 10 : i32
        %parallel_loop3A_523 = arith.addi %parallel_loop3A_448, %parallel_loop3A_522 : i32
        %parallel_loop3A_524 = vector.broadcast %parallel_loop3A_523 : i32 to vector<16xi32>
        %parallel_loop3A_525 = arith.addi %mul3A_325, %parallel_loop3A_524 : vector<16xi32>
        tpu.vector_store_idx %arg8[%parallel_loop3A_525], %parallel_loop3A_521 : memref<32768xf32, #tpu.memory_space<vmem>>[vector<16xi32>], vector<16xf32>,
        %parallel_loop3A_526 = vector.shape_cast %parallel_loop3A_446 : vector<16xi32> to vector<16x1xi32>
        %parallel_loop3A_527 = vector.shape_cast %parallel_loop3A_526 : vector<16x1xi32> to vector<16xi32>
        %parallel_loop3A_528 = tpu.dynamic_gather %get3A_349[%parallel_loop3A_527] in [0] : vector<16xf32>, vector<16xi32> -> vector<16xf32>
        %parallel_loop3A_529 = arith.constant 11 : i32
        %parallel_loop3A_530 = arith.addi %parallel_loop3A_448, %parallel_loop3A_529 : i32
        %parallel_loop3A_531 = vector.broadcast %parallel_loop3A_530 : i32 to vector<16xi32>
        %parallel_loop3A_532 = arith.addi %mul3A_325, %parallel_loop3A_531 : vector<16xi32>
        tpu.vector_store_idx %arg8[%parallel_loop3A_532], %parallel_loop3A_528 : memref<32768xf32, #tpu.memory_space<vmem>>[vector<16xi32>], vector<16xf32>,
        %parallel_loop3A_533 = vector.shape_cast %parallel_loop3A_446 : vector<16xi32> to vector<16x1xi32>
        %parallel_loop3A_534 = vector.shape_cast %parallel_loop3A_533 : vector<16x1xi32> to vector<16xi32>
        %parallel_loop3A_535 = tpu.dynamic_gather %get3A_351[%parallel_loop3A_534] in [0] : vector<16xf32>, vector<16xi32> -> vector<16xf32>
        %parallel_loop3A_536 = arith.constant 12 : i32
        %parallel_loop3A_537 = arith.addi %parallel_loop3A_448, %parallel_loop3A_536 : i32
        %parallel_loop3A_538 = vector.broadcast %parallel_loop3A_537 : i32 to vector<16xi32>
        %parallel_loop3A_539 = arith.addi %mul3A_325, %parallel_loop3A_538 : vector<16xi32>
        tpu.vector_store_idx %arg8[%parallel_loop3A_539], %parallel_loop3A_535 : memref<32768xf32, #tpu.memory_space<vmem>>[vector<16xi32>], vector<16xf32>,
        %parallel_loop3A_540 = vector.shape_cast %parallel_loop3A_446 : vector<16xi32> to vector<16x1xi32>
        %parallel_loop3A_541 = vector.shape_cast %parallel_loop3A_540 : vector<16x1xi32> to vector<16xi32>
        %parallel_loop3A_542 = tpu.dynamic_gather %get3A_353[%parallel_loop3A_541] in [0] : vector<16xf32>, vector<16xi32> -> vector<16xf32>
        %parallel_loop3A_543 = arith.constant 13 : i32
        %parallel_loop3A_544 = arith.addi %parallel_loop3A_448, %parallel_loop3A_543 : i32
        %parallel_loop3A_545 = vector.broadcast %parallel_loop3A_544 : i32 to vector<16xi32>
        %parallel_loop3A_546 = arith.addi %mul3A_325, %parallel_loop3A_545 : vector<16xi32>
        tpu.vector_store_idx %arg8[%parallel_loop3A_546], %parallel_loop3A_542 : memref<32768xf32, #tpu.memory_space<vmem>>[vector<16xi32>], vector<16xf32>,
        %parallel_loop3A_547 = vector.shape_cast %parallel_loop3A_446 : vector<16xi32> to vector<16x1xi32>
        %parallel_loop3A_548 = vector.shape_cast %parallel_loop3A_547 : vector<16x1xi32> to vector<16xi32>
        %parallel_loop3A_549 = tpu.dynamic_gather %get3A_355[%parallel_loop3A_548] in [0] : vector<16xf32>, vector<16xi32> -> vector<16xf32>
        %parallel_loop3A_550 = arith.constant 14 : i32
        %parallel_loop3A_551 = arith.addi %parallel_loop3A_448, %parallel_loop3A_550 : i32
        %parallel_loop3A_552 = vector.broadcast %parallel_loop3A_551 : i32 to vector<16xi32>
        %parallel_loop3A_553 = arith.addi %mul3A_325, %parallel_loop3A_552 : vector<16xi32>
        tpu.vector_store_idx %arg8[%parallel_loop3A_553], %parallel_loop3A_549 : memref<32768xf32, #tpu.memory_space<vmem>>[vector<16xi32>], vector<16xf32>,
        %parallel_loop3A_554 = vector.shape_cast %parallel_loop3A_446 : vector<16xi32> to vector<16x1xi32>
        %parallel_loop3A_555 = vector.shape_cast %parallel_loop3A_554 : vector<16x1xi32> to vector<16xi32>
        %parallel_loop3A_556 = tpu.dynamic_gather %get3A_357[%parallel_loop3A_555] in [0] : vector<16xf32>, vector<16xi32> -> vector<16xf32>
        %parallel_loop3A_557 = arith.constant 15 : i32
        %parallel_loop3A_558 = arith.addi %parallel_loop3A_448, %parallel_loop3A_557 : i32
        %parallel_loop3A_559 = vector.broadcast %parallel_loop3A_558 : i32 to vector<16xi32>
        %parallel_loop3A_560 = arith.addi %mul3A_325, %parallel_loop3A_559 : vector<16xi32>
        tpu.vector_store_idx %arg8[%parallel_loop3A_560], %parallel_loop3A_556 : memref<32768xf32, #tpu.memory_space<vmem>>[vector<16xi32>], vector<16xf32>,
      } {sc.loop_unroll_factor = 4 : i64, sc.parallel_access}
      %add3A_397 = arith.constant 1 : i32
      %add3A_398 = arith.addi %scan3A_382, %add3A_397 : i32
      %lt3A = arith.constant 25 : i32
      %lt3A_399 = arith.cmpi slt, %add3A_398, %lt3A : i32
      %convert_element_type3A_400 = arith.extui %lt3A_399 : i1 to i32
      %cond3A_401 = arith.constant 0 : i32
      %cond3A_402 = arith.cmpi ne, %convert_element_type3A_400, %cond3A_401 : i32
      scf.if %cond3A_402 {
        %add3A_442 = arith.constant 2 : i32
        %add3A_443 = arith.addi %add3A_387, %add3A_442 : i32
        %mul3A_444 = arith.constant 2048 : i32
        %mul3A_445 = arith.muli %add3A_443, %mul3A_444 : i32
        %add3A_446 = arith.addi %mul3A_2, %mul3A_445 : i32
        %dma_start3A_447 = tpu.memref_slice %arg2[%add3A_446] : memref<3276800xi32, #tpu.memory_space<hbm>> -> memref<2048xi32, #tpu.memory_space<hbm>>
        %dma_start3A_448 = tpu.memref_slice %arg2[%add3A_446] : memref<3276800xi32, #tpu.memory_space<hbm>> -> memref<2048xi32, #tpu.memory_space<hbm>>
        tpu.enqueue_dma source(%dma_start3A_448 : memref<2048xi32, #tpu.memory_space<hbm>>) target(%arg6 : memref<2048xi32, #tpu.memory_space<vmem>>) target_semaphore(%arg13 : memref<!tpu.dma_semaphore, #tpu.memory_space<semaphore_mem>>)
      } else {
      }
      %mul3A_403 = arith.constant 2048 : i32
      %mul3A_404 = arith.muli %add3A_387, %mul3A_403 : i32
      %add3A_405 = arith.addi %mul3A_2, %mul3A_404 : i32
      %mul3A_406 = arith.constant 16 : i32
      %mul3A_407 = arith.muli %add3A_405, %mul3A_406 : i32
      %dma_start3A_408 = tpu.memref_slice %arg5[%mul3A_407] : memref<52428800xf32, #tpu.memory_space<hbm>> -> memref<32768xf32, #tpu.memory_space<hbm>>
      %dma_start3A_409 = tpu.memref_slice %arg5[%mul3A_407] : memref<52428800xf32, #tpu.memory_space<hbm>> -> memref<32768xf32, #tpu.memory_space<hbm>>
      tpu.enqueue_dma source(%arg8 : memref<32768xf32, #tpu.memory_space<vmem>>) target(%dma_start3A_409 : memref<32768xf32, #tpu.memory_space<hbm>>) target_semaphore(%arg15 : memref<!tpu.dma_semaphore, #tpu.memory_space<semaphore_mem>>)
      %mul3A_410 = arith.constant 2 : i32
      %mul3A_411 = arith.muli %scan3A_382, %mul3A_410 : i32
      %add3A_412 = arith.constant 1 : i32
      %add3A_413 = arith.addi %mul3A_411, %add3A_412 : i32
      %mul3A_414 = arith.constant 2048 : i32
      %mul3A_415 = arith.muli %add3A_413, %mul3A_414 : i32
      %add3A_416 = arith.addi %mul3A_2, %mul3A_415 : i32
      %dma_wait3A_417 = tpu.memref_slice %arg2[%add3A_416] : memref<3276800xi32, #tpu.memory_space<hbm>> -> memref<2048xi32, #tpu.memory_space<hbm>>
      %dma_wait3A_418 = tpu.memref_slice %arg2[%add3A_416] : memref<3276800xi32, #tpu.memory_space<hbm>> -> memref<2048xi32, #tpu.memory_space<hbm>>
      tpu.wait_dma2 semaphore(%arg14 : memref<!tpu.dma_semaphore, #tpu.memory_space<semaphore_mem>>) src(%dma_wait3A_418 : memref<2048xi32, #tpu.memory_space<hbm>>) dst(%arg7 : memref<2048xi32, #tpu.memory_space<vmem>>)
      %gt3A_419 = arith.constant 0 : i32
      %gt3A_420 = arith.cmpi sgt, %scan3A_382, %gt3A_419 : i32
      %convert_element_type3A_421 = arith.extui %gt3A_420 : i1 to i32
      %cond3A_422 = arith.constant 0 : i32
      %cond3A_423 = arith.cmpi ne, %convert_element_type3A_421, %cond3A_422 : i32
      scf.if %cond3A_423 {
        %sub3A = arith.constant 2 : i32
        %sub3A_442 = arith.subi %add3A_413, %sub3A : i32
        %mul3A_443 = arith.constant 2048 : i32
        %mul3A_444 = arith.muli %sub3A_442, %mul3A_443 : i32
        %add3A_445 = arith.addi %mul3A_2, %mul3A_444 : i32
        %mul3A_446 = arith.constant 16 : i32
        %mul3A_447 = arith.muli %add3A_445, %mul3A_446 : i32
        %dma_wait3A_448 = tpu.memref_slice %arg5[%mul3A_447] : memref<52428800xf32, #tpu.memory_space<hbm>> -> memref<32768xf32, #tpu.memory_space<hbm>>
        %dma_wait3A_449 = tpu.memref_slice %arg5[%mul3A_447] : memref<52428800xf32, #tpu.memory_space<hbm>> -> memref<32768xf32, #tpu.memory_space<hbm>>
        tpu.wait_dma2 semaphore(%arg16 : memref<!tpu.dma_semaphore, #tpu.memory_space<semaphore_mem>>) src(%arg9 : memref<32768xf32, #tpu.memory_space<vmem>>) dst(%dma_wait3A_449 : memref<32768xf32, #tpu.memory_space<hbm>>)
      } else {
      }
      %parallel_loop3A_424 = arith.constant 0 : i32
      %parallel_loop3A_425 = arith.constant 128 : i32
      %parallel_loop3A_426 = arith.constant 1 : i32
      scf.for %parallel_loop3A_442 = %parallel_loop3A_424 to %parallel_loop3A_425 step %parallel_loop3A_426  : i32 {
        %parallel_loop3A_443 = arith.constant 16 : i32
        %parallel_loop3A_444 = arith.muli %parallel_loop3A_442, %parallel_loop3A_443 : i32
        %parallel_loop3A_445 = arith.index_cast %parallel_loop3A_444 : i32 to index
        %parallel_loop3A_446 = tpu.vector_load %arg7[%parallel_loop3A_445] {strides = array<i32>} : memref<2048xi32, #tpu.memory_space<vmem>>, vector<16xi32>,
        %parallel_loop3A_447 = arith.constant 256 : i32
        %parallel_loop3A_448 = arith.muli %parallel_loop3A_442, %parallel_loop3A_447 : i32
        %parallel_loop3A_449 = vector.shape_cast %parallel_loop3A_446 : vector<16xi32> to vector<16x1xi32>
        %parallel_loop3A_450 = vector.shape_cast %parallel_loop3A_449 : vector<16x1xi32> to vector<16xi32>
        %parallel_loop3A_451 = tpu.dynamic_gather %get3A_327[%parallel_loop3A_450] in [0] : vector<16xf32>, vector<16xi32> -> vector<16xf32>
        %parallel_loop3A_452 = arith.constant 0 : i32
        %parallel_loop3A_453 = arith.addi %parallel_loop3A_448, %parallel_loop3A_452 : i32
        %parallel_loop3A_454 = vector.broadcast %parallel_loop3A_453 : i32 to vector<16xi32>
        %parallel_loop3A_455 = arith.addi %mul3A_325, %parallel_loop3A_454 : vector<16xi32>
        tpu.vector_store_idx %arg9[%parallel_loop3A_455], %parallel_loop3A_451 : memref<32768xf32, #tpu.memory_space<vmem>>[vector<16xi32>], vector<16xf32>,
        %parallel_loop3A_456 = vector.shape_cast %parallel_loop3A_446 : vector<16xi32> to vector<16x1xi32>
        %parallel_loop3A_457 = vector.shape_cast %parallel_loop3A_456 : vector<16x1xi32> to vector<16xi32>
        %parallel_loop3A_458 = tpu.dynamic_gather %get3A_329[%parallel_loop3A_457] in [0] : vector<16xf32>, vector<16xi32> -> vector<16xf32>
        %parallel_loop3A_459 = arith.constant 1 : i32
        %parallel_loop3A_460 = arith.addi %parallel_loop3A_448, %parallel_loop3A_459 : i32
        %parallel_loop3A_461 = vector.broadcast %parallel_loop3A_460 : i32 to vector<16xi32>
        %parallel_loop3A_462 = arith.addi %mul3A_325, %parallel_loop3A_461 : vector<16xi32>
        tpu.vector_store_idx %arg9[%parallel_loop3A_462], %parallel_loop3A_458 : memref<32768xf32, #tpu.memory_space<vmem>>[vector<16xi32>], vector<16xf32>,
        %parallel_loop3A_463 = vector.shape_cast %parallel_loop3A_446 : vector<16xi32> to vector<16x1xi32>
        %parallel_loop3A_464 = vector.shape_cast %parallel_loop3A_463 : vector<16x1xi32> to vector<16xi32>
        %parallel_loop3A_465 = tpu.dynamic_gather %get3A_331[%parallel_loop3A_464] in [0] : vector<16xf32>, vector<16xi32> -> vector<16xf32>
        %parallel_loop3A_466 = arith.constant 2 : i32
        %parallel_loop3A_467 = arith.addi %parallel_loop3A_448, %parallel_loop3A_466 : i32
        %parallel_loop3A_468 = vector.broadcast %parallel_loop3A_467 : i32 to vector<16xi32>
        %parallel_loop3A_469 = arith.addi %mul3A_325, %parallel_loop3A_468 : vector<16xi32>
        tpu.vector_store_idx %arg9[%parallel_loop3A_469], %parallel_loop3A_465 : memref<32768xf32, #tpu.memory_space<vmem>>[vector<16xi32>], vector<16xf32>,
        %parallel_loop3A_470 = vector.shape_cast %parallel_loop3A_446 : vector<16xi32> to vector<16x1xi32>
        %parallel_loop3A_471 = vector.shape_cast %parallel_loop3A_470 : vector<16x1xi32> to vector<16xi32>
        %parallel_loop3A_472 = tpu.dynamic_gather %get3A_333[%parallel_loop3A_471] in [0] : vector<16xf32>, vector<16xi32> -> vector<16xf32>
        %parallel_loop3A_473 = arith.constant 3 : i32
        %parallel_loop3A_474 = arith.addi %parallel_loop3A_448, %parallel_loop3A_473 : i32
        %parallel_loop3A_475 = vector.broadcast %parallel_loop3A_474 : i32 to vector<16xi32>
        %parallel_loop3A_476 = arith.addi %mul3A_325, %parallel_loop3A_475 : vector<16xi32>
        tpu.vector_store_idx %arg9[%parallel_loop3A_476], %parallel_loop3A_472 : memref<32768xf32, #tpu.memory_space<vmem>>[vector<16xi32>], vector<16xf32>,
        %parallel_loop3A_477 = vector.shape_cast %parallel_loop3A_446 : vector<16xi32> to vector<16x1xi32>
        %parallel_loop3A_478 = vector.shape_cast %parallel_loop3A_477 : vector<16x1xi32> to vector<16xi32>
        %parallel_loop3A_479 = tpu.dynamic_gather %get3A_335[%parallel_loop3A_478] in [0] : vector<16xf32>, vector<16xi32> -> vector<16xf32>
        %parallel_loop3A_480 = arith.constant 4 : i32
        %parallel_loop3A_481 = arith.addi %parallel_loop3A_448, %parallel_loop3A_480 : i32
        %parallel_loop3A_482 = vector.broadcast %parallel_loop3A_481 : i32 to vector<16xi32>
        %parallel_loop3A_483 = arith.addi %mul3A_325, %parallel_loop3A_482 : vector<16xi32>
        tpu.vector_store_idx %arg9[%parallel_loop3A_483], %parallel_loop3A_479 : memref<32768xf32, #tpu.memory_space<vmem>>[vector<16xi32>], vector<16xf32>,
        %parallel_loop3A_484 = vector.shape_cast %parallel_loop3A_446 : vector<16xi32> to vector<16x1xi32>
        %parallel_loop3A_485 = vector.shape_cast %parallel_loop3A_484 : vector<16x1xi32> to vector<16xi32>
        %parallel_loop3A_486 = tpu.dynamic_gather %get3A_337[%parallel_loop3A_485] in [0] : vector<16xf32>, vector<16xi32> -> vector<16xf32>
        %parallel_loop3A_487 = arith.constant 5 : i32
        %parallel_loop3A_488 = arith.addi %parallel_loop3A_448, %parallel_loop3A_487 : i32
        %parallel_loop3A_489 = vector.broadcast %parallel_loop3A_488 : i32 to vector<16xi32>
        %parallel_loop3A_490 = arith.addi %mul3A_325, %parallel_loop3A_489 : vector<16xi32>
        tpu.vector_store_idx %arg9[%parallel_loop3A_490], %parallel_loop3A_486 : memref<32768xf32, #tpu.memory_space<vmem>>[vector<16xi32>], vector<16xf32>,
        %parallel_loop3A_491 = vector.shape_cast %parallel_loop3A_446 : vector<16xi32> to vector<16x1xi32>
        %parallel_loop3A_492 = vector.shape_cast %parallel_loop3A_491 : vector<16x1xi32> to vector<16xi32>
        %parallel_loop3A_493 = tpu.dynamic_gather %get3A_339[%parallel_loop3A_492] in [0] : vector<16xf32>, vector<16xi32> -> vector<16xf32>
        %parallel_loop3A_494 = arith.constant 6 : i32
        %parallel_loop3A_495 = arith.addi %parallel_loop3A_448, %parallel_loop3A_494 : i32
        %parallel_loop3A_496 = vector.broadcast %parallel_loop3A_495 : i32 to vector<16xi32>
        %parallel_loop3A_497 = arith.addi %mul3A_325, %parallel_loop3A_496 : vector<16xi32>
        tpu.vector_store_idx %arg9[%parallel_loop3A_497], %parallel_loop3A_493 : memref<32768xf32, #tpu.memory_space<vmem>>[vector<16xi32>], vector<16xf32>,
        %parallel_loop3A_498 = vector.shape_cast %parallel_loop3A_446 : vector<16xi32> to vector<16x1xi32>
        %parallel_loop3A_499 = vector.shape_cast %parallel_loop3A_498 : vector<16x1xi32> to vector<16xi32>
        %parallel_loop3A_500 = tpu.dynamic_gather %get3A_341[%parallel_loop3A_499] in [0] : vector<16xf32>, vector<16xi32> -> vector<16xf32>
        %parallel_loop3A_501 = arith.constant 7 : i32
        %parallel_loop3A_502 = arith.addi %parallel_loop3A_448, %parallel_loop3A_501 : i32
        %parallel_loop3A_503 = vector.broadcast %parallel_loop3A_502 : i32 to vector<16xi32>
        %parallel_loop3A_504 = arith.addi %mul3A_325, %parallel_loop3A_503 : vector<16xi32>
        tpu.vector_store_idx %arg9[%parallel_loop3A_504], %parallel_loop3A_500 : memref<32768xf32, #tpu.memory_space<vmem>>[vector<16xi32>], vector<16xf32>,
        %parallel_loop3A_505 = vector.shape_cast %parallel_loop3A_446 : vector<16xi32> to vector<16x1xi32>
        %parallel_loop3A_506 = vector.shape_cast %parallel_loop3A_505 : vector<16x1xi32> to vector<16xi32>
        %parallel_loop3A_507 = tpu.dynamic_gather %get3A_343[%parallel_loop3A_506] in [0] : vector<16xf32>, vector<16xi32> -> vector<16xf32>
        %parallel_loop3A_508 = arith.constant 8 : i32
        %parallel_loop3A_509 = arith.addi %parallel_loop3A_448, %parallel_loop3A_508 : i32
        %parallel_loop3A_510 = vector.broadcast %parallel_loop3A_509 : i32 to vector<16xi32>
        %parallel_loop3A_511 = arith.addi %mul3A_325, %parallel_loop3A_510 : vector<16xi32>
        tpu.vector_store_idx %arg9[%parallel_loop3A_511], %parallel_loop3A_507 : memref<32768xf32, #tpu.memory_space<vmem>>[vector<16xi32>], vector<16xf32>,
        %parallel_loop3A_512 = vector.shape_cast %parallel_loop3A_446 : vector<16xi32> to vector<16x1xi32>
        %parallel_loop3A_513 = vector.shape_cast %parallel_loop3A_512 : vector<16x1xi32> to vector<16xi32>
        %parallel_loop3A_514 = tpu.dynamic_gather %get3A_345[%parallel_loop3A_513] in [0] : vector<16xf32>, vector<16xi32> -> vector<16xf32>
        %parallel_loop3A_515 = arith.constant 9 : i32
        %parallel_loop3A_516 = arith.addi %parallel_loop3A_448, %parallel_loop3A_515 : i32
        %parallel_loop3A_517 = vector.broadcast %parallel_loop3A_516 : i32 to vector<16xi32>
        %parallel_loop3A_518 = arith.addi %mul3A_325, %parallel_loop3A_517 : vector<16xi32>
        tpu.vector_store_idx %arg9[%parallel_loop3A_518], %parallel_loop3A_514 : memref<32768xf32, #tpu.memory_space<vmem>>[vector<16xi32>], vector<16xf32>,
        %parallel_loop3A_519 = vector.shape_cast %parallel_loop3A_446 : vector<16xi32> to vector<16x1xi32>
        %parallel_loop3A_520 = vector.shape_cast %parallel_loop3A_519 : vector<16x1xi32> to vector<16xi32>
        %parallel_loop3A_521 = tpu.dynamic_gather %get3A_347[%parallel_loop3A_520] in [0] : vector<16xf32>, vector<16xi32> -> vector<16xf32>
        %parallel_loop3A_522 = arith.constant 10 : i32
        %parallel_loop3A_523 = arith.addi %parallel_loop3A_448, %parallel_loop3A_522 : i32
        %parallel_loop3A_524 = vector.broadcast %parallel_loop3A_523 : i32 to vector<16xi32>
        %parallel_loop3A_525 = arith.addi %mul3A_325, %parallel_loop3A_524 : vector<16xi32>
        tpu.vector_store_idx %arg9[%parallel_loop3A_525], %parallel_loop3A_521 : memref<32768xf32, #tpu.memory_space<vmem>>[vector<16xi32>], vector<16xf32>,
        %parallel_loop3A_526 = vector.shape_cast %parallel_loop3A_446 : vector<16xi32> to vector<16x1xi32>
        %parallel_loop3A_527 = vector.shape_cast %parallel_loop3A_526 : vector<16x1xi32> to vector<16xi32>
        %parallel_loop3A_528 = tpu.dynamic_gather %get3A_349[%parallel_loop3A_527] in [0] : vector<16xf32>, vector<16xi32> -> vector<16xf32>
        %parallel_loop3A_529 = arith.constant 11 : i32
        %parallel_loop3A_530 = arith.addi %parallel_loop3A_448, %parallel_loop3A_529 : i32
        %parallel_loop3A_531 = vector.broadcast %parallel_loop3A_530 : i32 to vector<16xi32>
        %parallel_loop3A_532 = arith.addi %mul3A_325, %parallel_loop3A_531 : vector<16xi32>
        tpu.vector_store_idx %arg9[%parallel_loop3A_532], %parallel_loop3A_528 : memref<32768xf32, #tpu.memory_space<vmem>>[vector<16xi32>], vector<16xf32>,
        %parallel_loop3A_533 = vector.shape_cast %parallel_loop3A_446 : vector<16xi32> to vector<16x1xi32>
        %parallel_loop3A_534 = vector.shape_cast %parallel_loop3A_533 : vector<16x1xi32> to vector<16xi32>
        %parallel_loop3A_535 = tpu.dynamic_gather %get3A_351[%parallel_loop3A_534] in [0] : vector<16xf32>, vector<16xi32> -> vector<16xf32>
        %parallel_loop3A_536 = arith.constant 12 : i32
        %parallel_loop3A_537 = arith.addi %parallel_loop3A_448, %parallel_loop3A_536 : i32
        %parallel_loop3A_538 = vector.broadcast %parallel_loop3A_537 : i32 to vector<16xi32>
        %parallel_loop3A_539 = arith.addi %mul3A_325, %parallel_loop3A_538 : vector<16xi32>
        tpu.vector_store_idx %arg9[%parallel_loop3A_539], %parallel_loop3A_535 : memref<32768xf32, #tpu.memory_space<vmem>>[vector<16xi32>], vector<16xf32>,
        %parallel_loop3A_540 = vector.shape_cast %parallel_loop3A_446 : vector<16xi32> to vector<16x1xi32>
        %parallel_loop3A_541 = vector.shape_cast %parallel_loop3A_540 : vector<16x1xi32> to vector<16xi32>
        %parallel_loop3A_542 = tpu.dynamic_gather %get3A_353[%parallel_loop3A_541] in [0] : vector<16xf32>, vector<16xi32> -> vector<16xf32>
        %parallel_loop3A_543 = arith.constant 13 : i32
        %parallel_loop3A_544 = arith.addi %parallel_loop3A_448, %parallel_loop3A_543 : i32
        %parallel_loop3A_545 = vector.broadcast %parallel_loop3A_544 : i32 to vector<16xi32>
        %parallel_loop3A_546 = arith.addi %mul3A_325, %parallel_loop3A_545 : vector<16xi32>
        tpu.vector_store_idx %arg9[%parallel_loop3A_546], %parallel_loop3A_542 : memref<32768xf32, #tpu.memory_space<vmem>>[vector<16xi32>], vector<16xf32>,
        %parallel_loop3A_547 = vector.shape_cast %parallel_loop3A_446 : vector<16xi32> to vector<16x1xi32>
        %parallel_loop3A_548 = vector.shape_cast %parallel_loop3A_547 : vector<16x1xi32> to vector<16xi32>
        %parallel_loop3A_549 = tpu.dynamic_gather %get3A_355[%parallel_loop3A_548] in [0] : vector<16xf32>, vector<16xi32> -> vector<16xf32>
        %parallel_loop3A_550 = arith.constant 14 : i32
        %parallel_loop3A_551 = arith.addi %parallel_loop3A_448, %parallel_loop3A_550 : i32
        %parallel_loop3A_552 = vector.broadcast %parallel_loop3A_551 : i32 to vector<16xi32>
        %parallel_loop3A_553 = arith.addi %mul3A_325, %parallel_loop3A_552 : vector<16xi32>
        tpu.vector_store_idx %arg9[%parallel_loop3A_553], %parallel_loop3A_549 : memref<32768xf32, #tpu.memory_space<vmem>>[vector<16xi32>], vector<16xf32>,
        %parallel_loop3A_554 = vector.shape_cast %parallel_loop3A_446 : vector<16xi32> to vector<16x1xi32>
        %parallel_loop3A_555 = vector.shape_cast %parallel_loop3A_554 : vector<16x1xi32> to vector<16xi32>
        %parallel_loop3A_556 = tpu.dynamic_gather %get3A_357[%parallel_loop3A_555] in [0] : vector<16xf32>, vector<16xi32> -> vector<16xf32>
        %parallel_loop3A_557 = arith.constant 15 : i32
        %parallel_loop3A_558 = arith.addi %parallel_loop3A_448, %parallel_loop3A_557 : i32
        %parallel_loop3A_559 = vector.broadcast %parallel_loop3A_558 : i32 to vector<16xi32>
        %parallel_loop3A_560 = arith.addi %mul3A_325, %parallel_loop3A_559 : vector<16xi32>
        tpu.vector_store_idx %arg9[%parallel_loop3A_560], %parallel_loop3A_556 : memref<32768xf32, #tpu.memory_space<vmem>>[vector<16xi32>], vector<16xf32>,
      } {sc.loop_unroll_factor = 4 : i64, sc.parallel_access}
      %add3A_427 = arith.constant 1 : i32
      %add3A_428 = arith.addi %scan3A_382, %add3A_427 : i32
      %lt3A_429 = arith.constant 25 : i32
      %lt3A_430 = arith.cmpi slt, %add3A_428, %lt3A_429 : i32
      %convert_element_type3A_431 = arith.extui %lt3A_430 : i1 to i32
      %cond3A_432 = arith.constant 0 : i32
      %cond3A_433 = arith.cmpi ne, %convert_element_type3A_431, %cond3A_432 : i32
      scf.if %cond3A_433 {
        %add3A_442 = arith.constant 2 : i32
        %add3A_443 = arith.addi %add3A_413, %add3A_442 : i32
        %mul3A_444 = arith.constant 2048 : i32
        %mul3A_445 = arith.muli %add3A_443, %mul3A_444 : i32
        %add3A_446 = arith.addi %mul3A_2, %mul3A_445 : i32
        %dma_start3A_447 = tpu.memref_slice %arg2[%add3A_446] : memref<3276800xi32, #tpu.memory_space<hbm>> -> memref<2048xi32, #tpu.memory_space<hbm>>
        %dma_start3A_448 = tpu.memref_slice %arg2[%add3A_446] : memref<3276800xi32, #tpu.memory_space<hbm>> -> memref<2048xi32, #tpu.memory_space<hbm>>
        tpu.enqueue_dma source(%dma_start3A_448 : memref<2048xi32, #tpu.memory_space<hbm>>) target(%arg7 : memref<2048xi32, #tpu.memory_space<vmem>>) target_semaphore(%arg14 : memref<!tpu.dma_semaphore, #tpu.memory_space<semaphore_mem>>)
      } else {
      }
      %mul3A_434 = arith.constant 2048 : i32
      %mul3A_435 = arith.muli %add3A_413, %mul3A_434 : i32
      %add3A_436 = arith.addi %mul3A_2, %mul3A_435 : i32
      %mul3A_437 = arith.constant 16 : i32
      %mul3A_438 = arith.muli %add3A_436, %mul3A_437 : i32
      %dma_start3A_439 = tpu.memref_slice %arg5[%mul3A_438] : memref<52428800xf32, #tpu.memory_space<hbm>> -> memref<32768xf32, #tpu.memory_space<hbm>>
      %dma_start3A_440 = tpu.memref_slice %arg5[%mul3A_438] : memref<52428800xf32, #tpu.memory_space<hbm>> -> memref<32768xf32, #tpu.memory_space<hbm>>
      tpu.enqueue_dma source(%arg9 : memref<32768xf32, #tpu.memory_space<vmem>>) target(%dma_start3A_440 : memref<32768xf32, #tpu.memory_space<hbm>>) target_semaphore(%arg16 : memref<!tpu.dma_semaphore, #tpu.memory_space<semaphore_mem>>)
      %scan3A_441 = arith.constant 0 : i32
      scf.yield %scan3A_441 : i32
    }
    %scan3A_370 = arith.constant 25 : i32
    %add3A_371 = arith.constant 98304 : i32
    %add3A_372 = arith.addi %mul3A_2, %add3A_371 : i32
    %mul3A_373 = arith.constant 16 : i32
    %mul3A_374 = arith.muli %add3A_372, %mul3A_373 : i32
    %dma_wait3A = tpu.memref_slice %arg5[%mul3A_374] : memref<52428800xf32, #tpu.memory_space<hbm>> -> memref<32768xf32, #tpu.memory_space<hbm>>
    %dma_wait3A_375 = tpu.memref_slice %arg5[%mul3A_374] : memref<52428800xf32, #tpu.memory_space<hbm>> -> memref<32768xf32, #tpu.memory_space<hbm>>
    tpu.wait_dma2 semaphore(%arg15 : memref<!tpu.dma_semaphore, #tpu.memory_space<semaphore_mem>>) src(%arg8 : memref<32768xf32, #tpu.memory_space<vmem>>) dst(%dma_wait3A_375 : memref<32768xf32, #tpu.memory_space<hbm>>)
    %add3A_376 = arith.constant 100352 : i32
    %add3A_377 = arith.addi %mul3A_2, %add3A_376 : i32
    %mul3A_378 = arith.constant 16 : i32
    %mul3A_379 = arith.muli %add3A_377, %mul3A_378 : i32
    %dma_wait3A_380 = tpu.memref_slice %arg5[%mul3A_379] : memref<52428800xf32, #tpu.memory_space<hbm>> -> memref<32768xf32, #tpu.memory_space<hbm>>
    %dma_wait3A_381 = tpu.memref_slice %arg5[%mul3A_379] : memref<52428800xf32, #tpu.memory_space<hbm>> -> memref<32768xf32, #tpu.memory_space<hbm>>
    tpu.wait_dma2 semaphore(%arg16 : memref<!tpu.dma_semaphore, #tpu.memory_space<semaphore_mem>>) src(%arg9 : memref<32768xf32, #tpu.memory_space<vmem>>) dst(%dma_wait3A_381 : memref<32768xf32, #tpu.memory_space<hbm>>)
    return
  }
}

</mosaic_0001>

<sc_bundles>
// kernel: kernel.3.cloned.1.call-start
scs
__scs_entry_jumppad:
0x0: {  	(pc) =	sbr.rel $0x88, $3  }
0x1: {  	(tag) =	ssettag $0x0;
	lr =	simm.s32 $0x1  }
0x2: {  	[smem:$0x3F9E] =	sst lr;
	_ =	strace $0xD0000000  }
0x3: {  	_ = 	snop  }
0x4: {  	_ = 	snop  }
0x5: {  	_ = 	snop  }
0x6: {  	_ = 	snop  }
0x7: {  	_ = 	snop  }
__scs_overlays_trampoline_lowered:
0x8: {  	[smem:$0x3FAD] =	sst s0  }
0x9: {  	[smem:$0x3FAE] =	sst s1  }
0xa: {  	[smem:$0x3FAF] =	sst s2  }
0xb: {  	[smem:$0x3FB0] =	sst s3  }
0xc: {  	[smem:$0x3FB1] =	sst s4  }
0xd: {  	[smem:$0x3FB2] =	sst s5  }
0xe: {  	[smem:$0x3FB3] =	sst s6  }
0xf: {  	[smem:$0x3FB4] =	sst s7  }
0x10: {  	[smem:$0x3FB5] =	sst s8  }
0x11: {  	[smem:$0x3FB6] =	sst s9;
	s0 =	simm.s32 @!p0 $0x0  }
0x12: {  	s1 =	sld [smem:$0x3F9C];
	s0 =	simm.s32 @p0 $0x1  }
0x13: {  	[smem:$0x3FB7] =	sst s0;
	s0 =	simm.s32 @!p1 $0x0  }
0x14: {  	s2 =	sld [smem:$0x3F9B];
	s0 =	simm.s32 @p1 $0x1  }
0x15: {  	[smem:$0x3FB8] =	sst s0;
	s0 =	simm.s32 @!p2 $0x0  }
0x16: {  	s3 =	sld [smem:$0x3FDB];
	s0 =	simm.s32 @p2 $0x1  }
0x17: {  	s4 =	simm.s32 $0x1BF5;
	[smem:$0x3FBA] =	sst s0  }
0x18: {  	s0 =	sld [smem:$0x3F9D];
	_ =	swait.ge [sflag:s4], $0x0  }
0x19: {  	s7 =	sld [smem:$0x3F9E]  }
0x1a: {  	s8 =	sadd.s32 $0xFFFFE003, lr  }
0x1b: {  	s9 =	sadd.s32 $0xFFFFFEF7, lr;
	s5 =	simm.s32 $0xFFFFFFFF;
	p2 =	slt.u32 s8, $0xFFFFF086  }
0x1c: {  	p1 =	slt.u32 s9, $0xF7A;
	s5 =	simm.s32 @!p2 $0x0  }
0x1d: {  	s5 =	simm.s32 @p1 $0x1;
	p0 =	seq.s32 s7, s2  }
0x1e: {  	s7 =	smul.u32 @!p0 $0xF7A, s2;
	p2 =	seq.s32 @!p0 s5, $0x0  }
0x1f: {  	s9 =	smul.u32 $0xF7A, s1;
	s8 =	simm.s32 @!p0 $0x1BF5;
	p2 =	por !p2, p0  }
0x20: {  	[sflag:s8] =	ssyncset.s32 @!p0 $0xFFFFF086;
	s6 =	sadd.s32 @!p0 s3, s7;
	s7 =	simm.s32 @!p0 $0x108  }
0x21: {  	s3 =	sadd.s32 s3, s9;
	s6 =	sadd.s32 @!p0 $0x88, s6;
	s7 =	simm.s32 @p2 $0x1082  }
0x22: {  	[simem:s7], [sflag:s8] =	dma.local @!p0 [hbm:s6], $0xF7A  }
0x23: {  	s9 =	sor.u32 $0xD0000000, s2;
	s6 =	simm.s32 $0x108;
	_ =	swait.ge @!p0 [sflag:s8], $0x0  }
0x24: {  	s3 =	sadd.s32 $0x88, s3;
	s6 =	simm.s32 @!p1 $0x1082;
	[sflag:s4] =	ssyncset.s32 $0xFFFFF086  }
0x25: {  	[simem:s6], [sflag:s4] =	dma.local [hbm:s3], $0xF7A  }
0x26: {  	[smem:$0x3F9E] =	sst s1;
	(tag) =	ssettag s2;
	_ =	strace s9  }
0x27: {  	s1 =	sld [smem:$0x3FAE]  }
0x28: {  	s2 =	sld [smem:$0x3FAF]  }
0x29: {  	s4 =	sld [smem:$0x3FB1]  }
0x2a: {  	p0 =	seq.s32 s5, $0x0;
	s5 =	sld [smem:$0x3FB2]  }
0x2b: {  	s6 =	sld [smem:$0x3FB3]  }
0x2c: {  	s7 =	sld [smem:$0x3FB4]  }
0x2d: {  	s3 =	simm.s32 $0x108;
	s8 =	sld [smem:$0x3FB5]  }
0x2e: {  	s3 =	simm.s32 @!p0 $0x1082;
	s9 =	sld [smem:$0x3FB6]  }
0x2f: {  	lr =	sadd.s32 s0, s3;
	s0 =	sld [smem:$0x3FAD]  }
0x30: {  	s3 =	sld [smem:$0x3FB0]  }
0x31: {  	[smem:$0x3FB9] =	sst s10  }
0x32: {  	s10 =	sld [smem:$0x3FB7];
	_ =	sdelay $0x3  }
0x33: {  	p0 =	seq.s32 s10, $0x1;
	s10 =	sld [smem:$0x3FB9];
	_ =	sdelay $0x3  }
0x34: {  	[smem:$0x3FB9] =	sst s10  }
0x35: {  	s10 =	sld [smem:$0x3FB8];
	_ =	sdelay $0x3  }
0x36: {  	p1 =	seq.s32 s10, $0x1;
	s10 =	sld [smem:$0x3FB9];
	_ =	sdelay $0x3  }
0x37: {  	[smem:$0x3FB9] =	sst s10  }
0x38: {  	s10 =	sld [smem:$0x3FBA]  }
0x39: {  	_ = 	snop;
	(pc) =	sbr.ind lr, $3  }
0x3a: {  	_ = 	snop  }
0x3b: {  	_ = 	snop  }
0x3c: {  	p2 =	seq.s32 s10, $0x1;
	s10 =	sld [smem:$0x3FB9]  }
0x3d: {  	_ =	shalt  }
0x3e: {  	_ =	shalt  }
0x3f: {  	_ =	shalt  }
0x40: {  	_ =	shalt  }
0x41: {  	_ =	shalt  }
0x42: {  	_ =	shalt  }
0x43: {  	_ =	shalt  }
0x44: {  	_ =	shalt  }
0x45: {  	_ =	shalt  }
0x46: {  	_ =	shalt  }
0x47: {  	_ =	shalt  }
0x48: {  	_ =	shalt  }
0x49: {  	_ =	shalt  }
0x4a: {  	_ =	shalt  }
0x4b: {  	_ =	shalt  }
0x4c: {  	_ =	shalt  }
0x4d: {  	_ =	shalt  }
0x4e: {  	_ =	shalt  }
0x4f: {  	_ =	shalt  }
0x50: {  	_ =	shalt  }
0x51: {  	_ =	shalt  }
0x52: {  	_ =	shalt  }
0x53: {  	_ =	shalt  }
0x54: {  	_ =	shalt  }
0x55: {  	_ =	shalt  }
0x56: {  	_ =	shalt  }
0x57: {  	_ =	shalt  }
0x58: {  	_ =	shalt  }
0x59: {  	_ =	shalt  }
0x5a: {  	_ =	shalt  }
0x5b: {  	_ =	shalt  }
0x5c: {  	_ =	shalt  }
0x5d: {  	_ =	shalt  }
0x5e: {  	_ =	shalt  }
0x5f: {  	_ =	shalt  }
0x60: {  	_ =	shalt  }
0x61: {  	_ =	shalt  }
0x62: {  	_ =	shalt  }
0x63: {  	_ =	shalt  }
0x64: {  	_ =	shalt  }
0x65: {  	_ =	shalt  }
0x66: {  	_ =	shalt  }
0x67: {  	_ =	shalt  }
0x68: {  	_ =	shalt  }
0x69: {  	_ =	shalt  }
0x6a: {  	_ =	shalt  }
0x6b: {  	_ =	shalt  }
0x6c: {  	_ =	shalt  }
0x6d: {  	_ =	shalt  }
0x6e: {  	_ =	shalt  }
0x6f: {  	_ =	shalt  }
0x70: {  	_ =	shalt  }
0x71: {  	_ =	shalt  }
0x72: {  	_ =	shalt  }
0x73: {  	_ =	shalt  }
0x74: {  	_ =	shalt  }
0x75: {  	_ =	shalt  }
0x76: {  	_ =	shalt  }
0x77: {  	_ =	shalt  }
0x78: {  	_ =	shalt  }
0x79: {  	_ =	shalt  }
0x7a: {  	_ =	shalt  }
0x7b: {  	_ =	shalt  }
0x7c: {  	_ =	shalt  }
0x7d: {  	_ =	shalt  }
0x7e: {  	_ =	shalt  }
0x7f: {  	_ =	shalt  }
0x80: {  	_ =	shalt  }
0x81: {  	_ =	shalt  }
0x82: {  	_ =	shalt  }
0x83: {  	_ =	shalt  }
0x84: {  	_ =	shalt  }
0x85: {  	_ =	shalt  }
0x86: {  	_ =	shalt  }
0x87: {  	_ =	shalt  }
.Lfunc_end0:
.L_simem_size_0:
called_computation.1_lowered:
.L_overlay_start_0:
0x88: {  	s2 =	sld [smem:$0x3FD9]  }
0x89: {  	s3 =	sld [smem:$0x3FFE];
	_ =	sdelay $0x1  }
0x8a: {  	s1 =	srdreg.scid  }
0x8b: {  	s0 =	sand.u32 $0x1, s1  }
0x8c: {  	s17 =	sshll.u32 s0, $0xA;
	s2 =	sadd.s32 s3, s2  }
0x8d: {  	s2 =	sadd.s32 s2, s17  }
0x8e: {  	[smem:$0x3FC5] =	sst s2  }
0x8f: {  	_ = 	snop  }
0x90: {  	s2 =	sld [smem:$0x3FC7]  }
0x91: {  	s18 =	sld [smem:$0x3FD0];
	(tm) =	ssettm $0x1  }
0x92: {  	s4 =	sld [smem:$0x3FFB];
	_ =	sdelay $0x3  }
0x93: {  	_ =	strace s4  }
0x94: {  	s4 =	sld [smem:$0x3FFC];
	_ =	sdelay $0x3  }
0x95: {  	_ =	strace s4  }
0x96: {  	s4 =	sld [smem:$0x3FFD];
	_ =	sdelay $0x3  }
0x97: {  	_ =	strace s4  }
0x98: {  	_ =	strace $0x8FFFFFFF  }
0x99: {  	s19 =	sld [smem:$0x3FDB];
	_ =	sdelay $0x1  }
0x9a: {  	s5 =	simm.s32 $_scs_section_size  }
0x9b: {  	s6 =	simm.s32 $_size__tile_overlayer_lowered;
	s7 =	simm.s32 $_tile_overlayer_lowered  }
0x9c: {  	s22 =	simm.s32 $0x1BFF;
	s21 =	sshll.u32 s7, $0x1;
	s4 =	sadd.s32 s5, s19  }
0x9d: {  	s8 =	simm.s32 $0x0;
	s20 =	sshll.u32 s6, $0x1;
	s6 =	sadd.s32 s21, s4  }
0x9e: {  	[timem:s8], [sflag:s22] =	dma.local [hbm:s6], s20  }
0x9f: {  	_ =	swait.ge [sflag:s22], s20  }
0xa0: {  	s5 =	ssub.s32 $0x0, s20;
	[sflag:s22] =	ssyncset.done $0x0  }
0xa1: {  	[sflag:s22] =	ssyncadd.s32 s5;
	_ =	sdelay $0x1  }
0xa2: {  	s23 =	simm.s32 $0x1B8B  }
0xa3: {  	_ =	swait.ge [sflag:s23], $0x1  }
0xa4: {  	[sflag:s23] =	ssyncset.done $0x0  }
0xa5: {  	s25 =	simm.s32 $0x1B8E;
	s24 =	sld [smem:$0x3FFE];
	[sflag:s23] =	ssyncadd.s32 $0xFFFFFFFF  }
0xa6: {  	s26 =	simm.s32 $execute0_lowered;
	[smem:$0x3FD2] =	sst s25  }
0xa7: {  	s6 =	sshll.u32 s26, $0x1;
	_ =	strace $0x80000046;
	[dreg:$0x1] =	wrdreg $0xFFFFFFFF  }
0xa8: {  	s28 =	simm.s32 $_size_execute0_lowered;
	s4 =	sadd.s32 s4, s6;
	[dreg:$0x0] =	wrdreg $0x0  }
0xa9: {  	s6 =	sshll.u32 s28, $0x1;
	[dreg:$0x2] =	wrdreg s4  }
0xaa: {  	[dreg:$0x3] =	wrdreg s6  }
0xab: {  	[dreg:$0x4] =	wrdreg $0xC0  }
0xac: {  	_ =	task [dreg:s8], $0x5FFFF  }
0xad: {  	[dreg:$0x1] =	wrdreg $0xFFFFFFFF  }
0xae: {  	[dreg:$0x0] =	wrdreg $0x60  }
0xaf: {  	[dreg:$0x2] =	wrdreg s24  }
0xb0: {  	[dreg:$0x3] =	wrdreg s2  }
0xb1: {  	[dreg:$0x4] =	wrdreg s18  }
0xb2: {  	[dreg:$0x5] =	wrdreg $0x9  }
0xb3: {  	_ =	task.clear_ibuf [dreg:s8], $0x6FFFF;
	_ =	strace $0x90000046  }
0xb4: {  	s29 =	simm.s32 $0x9;
	_ =	strace $0x80000048  }
0xb5: {  	_ =	swait.ge [sflag:s29], $0x1  }
0xb6: {  	[sflag:s29] =	ssyncadd.s32 $0xFFFFFFFF  }
0xb7: {  	_ =	strace $0x90000048  }
0xb8: {  	_ =	sfence  }
0xb9: {  	s30 =	sld [smem:$0x0];
	_ =	sdelay $0x2  }
0xba: {  	s31 =	sshll.u32 s1, $0xD;
	s1 =	sshrl.u32 s1, $0x2  }
0xbb: {  	s3 =	sand.u32 $0x4000, s31;
	s1 =	sadd.s32 s1, s30  }
0xbc: {  	s0 =	sor.u32 s3, s0;
	s1 =	sshll.u32 s1, $0x11  }
0xbd: {  	s0 =	sor.u32 s1, s0  }
0xbe: {  	s0 =	sadd.s32 $0x8F2B, s0  }
0xbf: {  	[sflag:s0] =	ssyncadd.remote.s32 $0x1  }
0xc0: {  	_ =	sfence.sel $0xFFFF  }
0xc1: {  	[dreg:$0x0] =	wrdreg $0xFFFFFFFF;
	(pc) =	sbr.abs _section_cstart, $3  }
0xc2: {  	[dreg:$0x1] =	wrdreg $0xFFFFFFFF  }
0xc3: {  	_ =	task.clear_ibuf [dreg:s8], $0x2FFFF;
	_ =	strace $0x9FFFFFFF  }
0xc4: {  	(tm) =	ssettm $0x7FFFFFFF  }
0xc5: {  	_ =	shalt  }
tec
execute0_lowered:
.L_overlay_start_1:
0x0: {  	(tag) =	ssettag $0x1  }
0x1: {  	s0 =	rddreg [dreg:$0x0];
	s1 =	srdreg.scid  }
0x2: {  	s2 =	stileid.u32;
	s3 =	rddreg [dreg:$0x2];
	s4 =	simm.s32 $0x0  }
0x3: {  	s15 =	simm.s32 $0x5;
	s17 =	simm.s32 $0x11480;
	s19 =	simm.s32 $0x1  }
0x4: {  	s20 =	simm.s32 $0x1000;
	s21 =	simm.s32 $0x2;
	s22 =	simm.s32 $0x9000  }
0x5: {  	s23 =	simm.s32 $0x3;
	s1 =	sand.u32 $0x1, s1;
	s2 =	sshll.u32 s2, $0x1  }
0x6: {  	s24 =	simm.s32 $0x4;
	s25 =	simm.s32 $0x0;
	s2 =	sor.u32 s1, s2  }
0x7: {  	[smem:$0x7FF] =	sst s4;
	s5 =	sadd.s32 $0xA00, s0;
	s12 =	smul.u32 $0x19000, s2  }
0x8: {  	s0 =	sadd.s32 $0x800, s0;
	_ =	strace $0x80000047;
	s1 =	ssub.s32 $0x2, s1  }
0x9: {  	v0 =	vlaneseq.u32;
	[dreg:$0x4] =	wrdreg s0;
	s7 =	sshrl.u32 s1, $0x1;
	s8 =	sshrl.u32 s12, $0x3  }
0xa: {  	v0 =	vmul.u32 $0x10, v0;
	s10 =	smul.u32 $0x190000, s2;
	s30 =	ssub.s32 s1, s7;
	s7 =	sadd.s32 s5, s8  }
0xb: {  	s9 =	sadd.s32 $0x1000, s12;
	s11 =	sor.u32 $0x800, s12;
	s31 =	sadd.s32 $0x100, s7  }
0xc: {  	v1 =	vor.u32 $0x1, v0;
	v2 =	vor.u32 $0x2, v0;
	v3 =	vor.u32 $0x3, v0;
	s12 =	sadd.s32 $0x1800, s12;
	s13 =	smax.u32 s30, $0x1;
	[dreg:$0x5] =	wrdreg s31  }
.LBB2_1:
0xd: {  	s0 =	rddreg [dreg:$0x4];
	s1 =	simm.s32 $0x11000  }
0xe: {  	[tilespmem:s1], [sflag:$0x5] =	stream.linear.gather [hbm4b:s0+s4], $0x80, $0x38;
	[tilespmem:$0x11580] =	vst v63  }
0xf: {  	_ =	swait.ge [sflag:s15], $0x80  }
0x10: {  	[sflag:s15] =	ssyncset.done $0x0  }
0x11: {  	[sflag:s15] =	ssyncadd.s32 $0xFFFFFF80  }
0x12: {  	s29 =	simm.s32 $0x11080;
	s26 =	rddreg [dreg:$0x1]  }
0x13: {  	[tilespmem:s29], [sflag:$0x5] =	stream.linear.gather [hbm4b:s26+s4], $0x400, $0x38;
	[tilespmem:$0x11580] =	vst v63  }
0x14: {  	_ =	swait.ge [sflag:s15], $0x400  }
0x15: {  	[sflag:s15] =	ssyncset.done $0x0  }
0x16: {  	[sflag:s15] =	ssyncadd.s32 $0xFFFFFC00  }
0x17: {  	v4 =	vld [tilespmem:$0x11000];
	_ =	sdelay $0x1  }
0x18: {  	v5 =	vld [tilespmem:$0x11080];
	_ =	sdelay $0x1  }
0x19: {  	v6 =	vld [tilespmem:$0x11100]  }
0x1a: {  	v7 =	vbroadcast v4, $0x0  }
0x1b: {  	v8 =	vld [tilespmem:$0x11180]  }
0x1c: {  	v5 =	vmul.f32 v5, v7;
	v7 =	vbroadcast v4, $0x1  }
0x1d: {  	v9 =	vld [tilespmem:$0x11200]  }
0x1e: {  	v5 =	vadd.f32 $0.0e+00, v5;
	v6 =	vmul.f32 v6, v7;
	v7 =	vbroadcast v4, $0x2  }
0x1f: {  	v10 =	vld [tilespmem:$0x11280]  }
0x20: {  	v5 =	vadd.f32 v6, v5;
	v6 =	vmul.f32 v8, v7;
	v7 =	vbroadcast v4, $0x3  }
0x21: {  	v8 =	vld [tilespmem:$0x11300]  }
0x22: {  	v5 =	vadd.f32 v6, v5;
	v6 =	vmul.f32 v9, v7;
	v7 =	vbroadcast v4, $0x4  }
0x23: {  	v9 =	vld [tilespmem:$0x11380]  }
0x24: {  	v5 =	vadd.f32 v6, v5;
	v6 =	vmul.f32 v10, v7;
	v7 =	vbroadcast v4, $0x5  }
0x25: {  	v10 =	vld [tilespmem:$0x11400]  }
0x26: {  	v5 =	vadd.f32 v6, v5;
	v6 =	vmul.f32 v8, v7;
	v7 =	vbroadcast v4, $0x6;
	_ =	sdelay $0x1  }
0x27: {  	v5 =	vadd.f32 v6, v5;
	v6 =	vmul.f32 v9, v7;
	v7 =	vbroadcast v4, $0x7;
	_ =	sdelay $0x1  }
0x28: {  	v5 =	vadd.f32 v6, v5;
	v6 =	vmul.f32 v10, v7;
	_ =	sdelay $0x1  }
0x29: {  	v5 =	vadd.f32 v6, v5;
	_ =	sdelay $0x1  }
0x2a: {  	v6 =	vld [tilespmem:$0x11010];
	[tilespmem:v0+s17+$0x0] =	vst.idx.msk $0xffff, v5  }
0x2b: {  	v5 =	vld [tilespmem:$0x11080];
	_ =	sdelay $0x1  }
0x2c: {  	v7 =	vld [tilespmem:$0x11100]  }
0x2d: {  	v8 =	vbroadcast v4, $0x8  }
0x2e: {  	v9 =	vld [tilespmem:$0x11180]  }
0x2f: {  	v5 =	vmul.f32 v5, v8;
	v8 =	vbroadcast v4, $0x9  }
0x30: {  	v10 =	vld [tilespmem:$0x11200]  }
0x31: {  	v5 =	vadd.f32 $0.0e+00, v5;
	v7 =	vmul.f32 v7, v8;
	v8 =	vbroadcast v4, $0xA  }
0x32: {  	v11 =	vld [tilespmem:$0x11280]  }
0x33: {  	v5 =	vadd.f32 v7, v5;
	v7 =	vmul.f32 v9, v8;
	v8 =	vbroadcast v4, $0xB  }
0x34: {  	v9 =	vld [tilespmem:$0x11300]  }
0x35: {  	v5 =	vadd.f32 v7, v5;
	v7 =	vmul.f32 v10, v8;
	v8 =	vbroadcast v4, $0xC  }
0x36: {  	v10 =	vld [tilespmem:$0x11380]  }
0x37: {  	v5 =	vadd.f32 v7, v5;
	v7 =	vmul.f32 v11, v8;
	v8 =	vbroadcast v4, $0xD  }
0x38: {  	v11 =	vld [tilespmem:$0x11400]  }
0x39: {  	v5 =	vadd.f32 v7, v5;
	v7 =	vmul.f32 v9, v8;
	v8 =	vbroadcast v4, $0xE;
	_ =	sdelay $0x1  }
0x3a: {  	v4 =	vbroadcast v4, $0xF;
	v5 =	vadd.f32 v7, v5;
	v7 =	vmul.f32 v10, v8;
	_ =	sdelay $0x1  }
0x3b: {  	v4 =	vmul.f32 v11, v4;
	v5 =	vadd.f32 v7, v5;
	_ =	sdelay $0x1  }
0x3c: {  	v4 =	vadd.f32 v4, v5;
	_ =	sdelay $0x1  }
0x3d: {  	[tilespmem:v1+s17+$0x0] =	vst.idx.msk $0xffff, v4  }
0x3e: {  	v4 =	vld [tilespmem:$0x11080];
	_ =	sdelay $0x1  }
0x3f: {  	v5 =	vld [tilespmem:$0x11100]  }
0x40: {  	v7 =	vbroadcast v6, $0x0  }
0x41: {  	v8 =	vld [tilespmem:$0x11180]  }
0x42: {  	v4 =	vmul.f32 v4, v7;
	v7 =	vbroadcast v6, $0x1  }
0x43: {  	v9 =	vld [tilespmem:$0x11200]  }
0x44: {  	v4 =	vadd.f32 $0.0e+00, v4;
	v5 =	vmul.f32 v5, v7;
	v7 =	vbroadcast v6, $0x2  }
0x45: {  	v10 =	vld [tilespmem:$0x11280]  }
0x46: {  	v4 =	vadd.f32 v5, v4;
	v5 =	vmul.f32 v8, v7;
	v7 =	vbroadcast v6, $0x3  }
0x47: {  	v8 =	vld [tilespmem:$0x11300]  }
0x48: {  	v4 =	vadd.f32 v5, v4;
	v5 =	vmul.f32 v9, v7;
	v7 =	vbroadcast v6, $0x4  }
0x49: {  	v9 =	vld [tilespmem:$0x11380]  }
0x4a: {  	v4 =	vadd.f32 v5, v4;
	v5 =	vmul.f32 v10, v7;
	v7 =	vbroadcast v6, $0x5  }
0x4b: {  	v10 =	vld [tilespmem:$0x11400]  }
0x4c: {  	v4 =	vadd.f32 v5, v4;
	v5 =	vmul.f32 v8, v7;
	v7 =	vbroadcast v6, $0x6;
	_ =	sdelay $0x1  }
0x4d: {  	v4 =	vadd.f32 v5, v4;
	v5 =	vmul.f32 v9, v7;
	v7 =	vbroadcast v6, $0x7;
	_ =	sdelay $0x1  }
0x4e: {  	v4 =	vadd.f32 v5, v4;
	v5 =	vmul.f32 v10, v7;
	_ =	sdelay $0x1  }
0x4f: {  	v4 =	vadd.f32 v5, v4;
	_ =	sdelay $0x1  }
0x50: {  	[tilespmem:v2+s17+$0x0] =	vst.idx.msk $0xffff, v4  }
0x51: {  	v4 =	vld [tilespmem:$0x11080];
	_ =	sdelay $0x1  }
0x52: {  	v5 =	vld [tilespmem:$0x11100]  }
0x53: {  	v7 =	vbroadcast v6, $0x8  }
0x54: {  	v8 =	vld [tilespmem:$0x11180]  }
0x55: {  	v4 =	vmul.f32 v4, v7;
	v7 =	vbroadcast v6, $0x9  }
0x56: {  	v9 =	vld [tilespmem:$0x11200]  }
0x57: {  	v4 =	vadd.f32 $0.0e+00, v4;
	v5 =	vmul.f32 v5, v7;
	v7 =	vbroadcast v6, $0xA  }
0x58: {  	v10 =	vld [tilespmem:$0x11280]  }
0x59: {  	v4 =	vadd.f32 v5, v4;
	v5 =	vmul.f32 v8, v7;
	v7 =	vbroadcast v6, $0xB  }
0x5a: {  	v8 =	vld [tilespmem:$0x11300]  }
0x5b: {  	v4 =	vadd.f32 v5, v4;
	v5 =	vmul.f32 v9, v7;
	v7 =	vbroadcast v6, $0xC  }
0x5c: {  	v9 =	vld [tilespmem:$0x11380]  }
0x5d: {  	v4 =	vadd.f32 v5, v4;
	v5 =	vmul.f32 v10, v7;
	v7 =	vbroadcast v6, $0xD  }
0x5e: {  	v10 =	vld [tilespmem:$0x11400]  }
0x5f: {  	v4 =	vadd.f32 v5, v4;
	v5 =	vmul.f32 v8, v7;
	v7 =	vbroadcast v6, $0xE;
	_ =	sdelay $0x1  }
0x60: {  	v6 =	vbroadcast v6, $0xF;
	v4 =	vadd.f32 v5, v4;
	v5 =	vmul.f32 v9, v7;
	_ =	sdelay $0x1  }
0x61: {  	v4 =	vadd.f32 v5, v4;
	v5 =	vmul.f32 v10, v6;
	_ =	sdelay $0x1  }
0x62: {  	v4 =	vadd.f32 v5, v4;
	_ =	sdelay $0x1  }
0x63: {  	[tilespmem:v3+s17+$0x0] =	vst.idx.msk $0xffff, v4  }
0x64: {  	v4 =	vld [tilespmem:$0x11480]  }
0x65: {  	v5 =	vld [tilespmem:$0x11490]  }
0x66: {  	v6 =	vld [tilespmem:$0x114A0]  }
0x67: {  	v7 =	vld [tilespmem:$0x114B0]  }
0x68: {  	v8 =	vld [tilespmem:$0x114C0]  }
0x69: {  	v9 =	vld [tilespmem:$0x114D0]  }
0x6a: {  	v10 =	vld [tilespmem:$0x114E0]  }
0x6b: {  	v11 =	vld [tilespmem:$0x114F0]  }
0x6c: {  	v12 =	vld [tilespmem:$0x11500]  }
0x6d: {  	v13 =	vld [tilespmem:$0x11510]  }
0x6e: {  	v14 =	vld [tilespmem:$0x11520]  }
0x6f: {  	v15 =	vld [tilespmem:$0x11530]  }
0x70: {  	v16 =	vld [tilespmem:$0x11540]  }
0x71: {  	v18 =	vld [tilespmem:$0x11560]  }
0x72: {  	v17 =	vld [tilespmem:$0x11550]  }
0x73: {  	v19 =	vld [tilespmem:$0x11570];
	[tilespmem:s4], [sflag:$0x1] =	stream.linear.gather [hbm4b:s7+s4], $0x800, $0x38  }
0x74: {  	s31 =	simm.s32 $0x800;
	s28 =	simm.s32 $0x0;
	s30 =	rddreg [dreg:$0x5]  }
0x75: {  	[tilespmem:s31], [sflag:$0x2] =	stream.linear.gather [hbm4b:s30+s4], $0x800, $0x38;
	[tilespmem:$0x11580] =	vst v63  }
.LBB2_2:
0x76: {  	_ =	swait.ge [sflag:s19], $0x800  }
0x77: {  	p1 =	seq.s32 s28, $0x0;
	[sflag:s19] =	ssyncset.done $0x0  }
0x78: {  	s0 =	simm.s32 @!p1 $0x3;
	[sflag:s19] =	ssyncadd.s32 $0xFFFFF800  }
0x79: {  	_ =	swait.ge @!p1 [sflag:s0], $0x8000  }
0x7a: {  	[sflag:s0] =	ssyncset.done @!p1 $0x0  }
0x7b: {  	[sflag:s0] =	ssyncadd.s32 @!p1 $0xFFFF8000;
	s0 =	simm.s32 $0x20  }
0x7c: {  	v20 =	vld [tilespmem:s0+$0x0]  }
0x7d: {  	s1 =	simm.s32 $0x200;
	v22 =	vld [tilespmem:s0+$0xFFFFFFF0]  }
0x7e: {  	s2 =	simm.s32 $0x100;
	v21 =	vor.u32 s1, v0  }
0x7f: {  	s26 =	simm.s32 $0x101;
	v23 =	vor.u32 s2, v0  }
0x80: {  	v25 =	vor.u32 s26, v0;
	s2 =	simm.s32 $0x102;
	v24 =	vld [tilespmem:s0+$0xFFFFFFE0]  }
0x81: {  	s6 =	simm.s32 $0x0;
	v26 =	vor.u32 s2, v0;
	v27 =	vperm.xlane v4, v20  }
0x82: {  	s8 =	simm.s32 $0x1;
	v28 =	vor.u32 s6, v0;
	v29 =	vperm.xlane v4, v22  }
0x83: {  	s14 =	simm.s32 $0x2;
	v30 =	vor.u32 s8, v0;
	v31 =	vperm.xlane v5, v22;
	[tilespmem:v21+s20+$0x0] =	vst.idx.msk $0xffff, v27  }
0x84: {  	s16 =	simm.s32 $0x3;
	v21 =	vor.u32 s14, v0;
	[tilespmem:v23+s20+$0x0] =	vst.idx.msk $0xffff, v29;
	v23 =	vperm.xlane v6, v22  }
0x85: {  	s18 =	simm.s32 $0x4;
	v27 =	vperm.xlane v4, v24;
	v29 =	vor.u32 s16, v0;
	[tilespmem:v25+s20+$0x0] =	vst.idx.msk $0xffff, v31  }
0x86: {  	s26 =	simm.s32 $0x5;
	v25 =	vperm.xlane v5, v24;
	v31 =	vor.u32 s18, v0;
	[tilespmem:v26+s20+$0x0] =	vst.idx.msk $0xffff, v23  }
0x87: {  	s2 =	simm.s32 $0x6;
	v23 =	vperm.xlane v6, v24;
	v26 =	vor.u32 s26, v0;
	[tilespmem:v28+s20+$0x0] =	vst.idx.msk $0xffff, v27  }
0x88: {  	s6 =	simm.s32 $0x7;
	v27 =	vperm.xlane v7, v24;
	v28 =	vor.u32 s2, v0;
	[tilespmem:v30+s20+$0x0] =	vst.idx.msk $0xffff, v25  }
0x89: {  	s8 =	simm.s32 $0x8;
	v25 =	vperm.xlane v8, v24;
	v30 =	vor.u32 s6, v0;
	[tilespmem:v21+s20+$0x0] =	vst.idx.msk $0xffff, v23  }
0x8a: {  	s14 =	simm.s32 $0x9;
	v21 =	vperm.xlane v9, v24;
	v23 =	vor.u32 s8, v0;
	[tilespmem:v29+s20+$0x0] =	vst.idx.msk $0xffff, v27  }
0x8b: {  	s16 =	simm.s32 $0xA;
	v27 =	vperm.xlane v10, v24;
	v29 =	vor.u32 s14, v0;
	[tilespmem:v31+s20+$0x0] =	vst.idx.msk $0xffff, v25  }
0x8c: {  	s18 =	simm.s32 $0x201;
	v25 =	vperm.xlane v11, v24;
	v31 =	vor.u32 s16, v0;
	[tilespmem:v26+s20+$0x0] =	vst.idx.msk $0xffff, v21  }
0x8d: {  	s26 =	simm.s32 $0xB;
	v21 =	vperm.xlane v12, v24;
	v26 =	vor.u32 s18, v0;
	[tilespmem:v28+s20+$0x0] =	vst.idx.msk $0xffff, v27  }
0x8e: {  	s6 =	simm.s32 $0xC;
	v27 =	vor.u32 s26, v0;
	v28 =	vperm.xlane v13, v24;
	[tilespmem:v30+s20+$0x0] =	vst.idx.msk $0xffff, v25  }
0x8f: {  	s8 =	simm.s32 $0xD;
	v25 =	vor.u32 s6, v0;
	v30 =	vperm.xlane v14, v24;
	[tilespmem:v23+s20+$0x0] =	vst.idx.msk $0xffff, v21  }
0x90: {  	s14 =	simm.s32 $0xE;
	v21 =	vperm.xlane v5, v20;
	v23 =	vor.u32 s8, v0;
	[tilespmem:v29+s20+$0x0] =	vst.idx.msk $0xffff, v28  }
0x91: {  	s16 =	simm.s32 $0x103;
	v28 =	vperm.xlane v15, v24;
	v29 =	vor.u32 s14, v0;
	[tilespmem:v31+s20+$0x0] =	vst.idx.msk $0xffff, v30  }
0x92: {  	s18 =	simm.s32 $0xF;
	v30 =	vor.u32 s16, v0;
	v31 =	vperm.xlane v16, v24;
	[tilespmem:v26+s20+$0x0] =	vst.idx.msk $0xffff, v21  }
0x93: {  	s26 =	simm.s32 $0x104;
	v21 =	vperm.xlane v17, v24;
	v26 =	vor.u32 s18, v0;
	[tilespmem:v27+s20+$0x0] =	vst.idx.msk $0xffff, v28  }
0x94: {  	s6 =	simm.s32 $0x105;
	v27 =	vor.u32 s26, v0;
	v28 =	vperm.xlane v18, v24;
	[tilespmem:v25+s20+$0x0] =	vst.idx.msk $0xffff, v31  }
0x95: {  	s8 =	simm.s32 $0x106;
	v25 =	vor.u32 s6, v0;
	v31 =	vperm.xlane v7, v22;
	[tilespmem:v23+s20+$0x0] =	vst.idx.msk $0xffff, v21  }
0x96: {  	s14 =	simm.s32 $0x107;
	v23 =	vor.u32 s8, v0;
	v21 =	vperm.xlane v19, v24;
	[tilespmem:v29+s20+$0x0] =	vst.idx.msk $0xffff, v28  }
0x97: {  	s16 =	simm.s32 $0x108;
	v24 =	vperm.xlane v8, v22;
	v28 =	vor.u32 s14, v0;
	[tilespmem:v30+s20+$0x0] =	vst.idx.msk $0xffff, v31  }
0x98: {  	s18 =	simm.s32 $0x109;
	v29 =	vor.u32 s16, v0;
	[tilespmem:v26+s20+$0x0] =	vst.idx.msk $0xffff, v21;
	v26 =	vperm.xlane v9, v22  }
0x99: {  	s26 =	simm.s32 $0x10A;
	[tilespmem:v27+s20+$0x0] =	vst.idx.msk $0xffff, v24;
	v24 =	vperm.xlane v10, v22;
	v27 =	vor.u32 s18, v0  }
0x9a: {  	s2 =	simm.s32 $0x10B;
	v21 =	vld [tilespmem:s0+$0x10];
	[tilespmem:v25+s20+$0x0] =	vst.idx.msk $0xffff, v26;
	v25 =	vperm.xlane v11, v22;
	v26 =	vor.u32 s26, v0  }
0x9b: {  	s6 =	simm.s32 $0x300;
	[tilespmem:v23+s20+$0x0] =	vst.idx.msk $0xffff, v24;
	v23 =	vperm.xlane v12, v22;
	v24 =	vor.u32 s2, v0  }
0x9c: {  	s8 =	simm.s32 $0x301;
	v30 =	vor.u32 s6, v0;
	[tilespmem:v28+s20+$0x0] =	vst.idx.msk $0xffff, v25;
	v25 =	vperm.xlane v13, v22  }
0x9d: {  	s14 =	simm.s32 $0x202;
	v28 =	vor.u32 s8, v0;
	[tilespmem:v29+s20+$0x0] =	vst.idx.msk $0xffff, v23;
	v23 =	vperm.xlane v14, v22  }
0x9e: {  	s16 =	simm.s32 $0x10C;
	[tilespmem:v27+s20+$0x0] =	vst.idx.msk $0xffff, v25;
	v25 =	vperm.xlane v15, v22;
	v27 =	vor.u32 s14, v0  }
0x9f: {  	s18 =	simm.s32 $0x10D;
	v29 =	vperm.xlane v4, v21;
	[tilespmem:v26+s20+$0x0] =	vst.idx.msk $0xffff, v23;
	v23 =	vor.u32 s16, v0  }
0xa0: {  	s26 =	simm.s32 $0x10E;
	v26 =	vperm.xlane v5, v21;
	[tilespmem:v24+s20+$0x0] =	vst.idx.msk $0xffff, v25;
	v24 =	vor.u32 s18, v0  }
0xa1: {  	s1 =	simm.s32 $0x10F;
	v31 =	vperm.xlane v6, v20;
	[tilespmem:v30+s20+$0x0] =	vst.idx.msk $0xffff, v29;
	v25 =	vor.u32 s26, v0  }
0xa2: {  	s2 =	simm.s32 $0x302;
	v29 =	vperm.xlane v16, v22;
	v30 =	vor.u32 s1, v0;
	[tilespmem:v28+s20+$0x0] =	vst.idx.msk $0xffff, v26  }
0xa3: {  	s6 =	simm.s32 $0x303;
	v26 =	vor.u32 s2, v0;
	v28 =	vperm.xlane v17, v22;
	[tilespmem:v27+s20+$0x0] =	vst.idx.msk $0xffff, v31  }
0xa4: {  	s8 =	simm.s32 $0x304;
	v27 =	vor.u32 s6, v0;
	[tilespmem:v23+s20+$0x0] =	vst.idx.msk $0xffff, v29;
	v23 =	vperm.xlane v18, v22  }
0xa5: {  	s14 =	simm.s32 $0x305;
	v22 =	vperm.xlane v19, v22;
	[tilespmem:v24+s20+$0x0] =	vst.idx.msk $0xffff, v28;
	v24 =	vor.u32 s8, v0  }
0xa6: {  	s16 =	simm.s32 $0x306;
	v28 =	vperm.xlane v6, v21;
	[tilespmem:v25+s20+$0x0] =	vst.idx.msk $0xffff, v23;
	v23 =	vor.u32 s14, v0  }
0xa7: {  	s18 =	simm.s32 $0x203;
	v25 =	vperm.xlane v7, v21;
	[tilespmem:v30+s20+$0x0] =	vst.idx.msk $0xffff, v22;
	v22 =	vor.u32 s16, v0  }
0xa8: {  	s26 =	simm.s32 $0x204;
	v29 =	vor.u32 s18, v0;
	[tilespmem:v26+s20+$0x0] =	vst.idx.msk $0xffff, v28;
	v26 =	vperm.xlane v8, v21  }
0xa9: {  	s1 =	simm.s32 $0x205;
	v28 =	vor.u32 s26, v0;
	[tilespmem:v27+s20+$0x0] =	vst.idx.msk $0xffff, v25;
	v25 =	vperm.xlane v9, v21  }
0xaa: {  	s2 =	simm.s32 $0x206;
	v27 =	vor.u32 s1, v0;
	[tilespmem:v24+s20+$0x0] =	vst.idx.msk $0xffff, v26;
	v24 =	vperm.xlane v10, v21  }
0xab: {  	s6 =	simm.s32 $0x207;
	v30 =	vor.u32 s2, v0;
	v26 =	vperm.xlane v7, v20;
	[tilespmem:v23+s20+$0x0] =	vst.idx.msk $0xffff, v25  }
0xac: {  	s8 =	simm.s32 $0x208;
	v23 =	vperm.xlane v8, v20;
	v25 =	vor.u32 s6, v0;
	[tilespmem:v22+s20+$0x0] =	vst.idx.msk $0xffff, v24  }
0xad: {  	s14 =	simm.s32 $0x209;
	[tilespmem:v29+s20+$0x0] =	vst.idx.msk $0xffff, v26;
	v22 =	vperm.xlane v9, v20;
	v24 =	vor.u32 s8, v0  }
0xae: {  	s16 =	simm.s32 $0x20A;
	v26 =	vor.u32 s14, v0;
	[tilespmem:v28+s20+$0x0] =	vst.idx.msk $0xffff, v23;
	v23 =	vperm.xlane v10, v20  }
0xaf: {  	s18 =	simm.s32 $0x20B;
	v29 =	vor.u32 s16, v0;
	[tilespmem:v27+s20+$0x0] =	vst.idx.msk $0xffff, v22;
	v22 =	vperm.xlane v11, v20  }
0xb0: {  	s26 =	simm.s32 $0x20C;
	[tilespmem:v30+s20+$0x0] =	vst.idx.msk $0xffff, v23;
	v23 =	vperm.xlane v12, v20;
	v30 =	vor.u32 s18, v0  }
0xb1: {  	s29 =	simm.s32 $0x30F;
	v31 =	vor.u32 s26, v0;
	s1 =	simm.s32 $0x20D;
	[tilespmem:v25+s20+$0x0] =	vst.idx.msk $0xffff, v22;
	v25 =	vperm.xlane v13, v20  }
0xb2: {  	v32 =	vor.u32 s29, v0;
	s6 =	simm.s32 $0x307;
	[tilespmem:v24+s20+$0x0] =	vst.idx.msk $0xffff, v23;
	v23 =	vperm.xlane v14, v20;
	v24 =	vor.u32 s1, v0  }
0xb3: {  	s31 =	simm.s32 $0x0;
	v33 =	vperm.xlane v17, v20;
	s8 =	simm.s32 $0x20E;
	v28 =	vor.u32 s6, v0;
	[tilespmem:v26+s20+$0x0] =	vst.idx.msk $0xffff, v25;
	v25 =	vperm.xlane v15, v20  }
0xb4: {  	s30 =	simm.s32 $0x30C;
	v34 =	vperm.xlane v19, v21;
	s2 =	simm.s32 $0x20F;
	s14 =	simm.s32 $0x308;
	v26 =	vperm.xlane v16, v20;
	[tilespmem:v29+s20+$0x0] =	vst.idx.msk $0xffff, v23;
	v23 =	vor.u32 s8, v0  }
0xb5: {  	s0 =	simm.s32 $0x30D;
	s16 =	simm.s32 $0x30E;
	v27 =	vor.u32 s2, v0;
	s18 =	simm.s32 $0x309;
	v22 =	vperm.xlane v18, v20;
	[tilespmem:v30+s20+$0x0] =	vst.idx.msk $0xffff, v25;
	v25 =	vor.u32 s14, v0  }
0xb6: {  	s26 =	sshll.u32 s28, $0xC;
	s1 =	simm.s32 $0x60;
	v30 =	vperm.xlane v11, v21;
	s14 =	simm.s32 $0x30A;
	[tilespmem:v31+s20+$0x0] =	vst.idx.msk $0xffff, v26;
	v26 =	vor.u32 s18, v0;
	v31 =	vor.u32 s16, v0  }
.LBB2_3:
0xb7: {  	v29 =	vld [tilespmem:s1+$0xFFFFFFE0];
	s31 =	sadd.s32 $0x4, s31;
	[tilespmem:v24+s20+$0x0] =	vst.idx.msk $0xffff, v33;
	v33 =	vor.u32 s14, v0;
	s2 =	sadd.s32 $0xFFFFFFFC, s29;
	v36 =	vor.u32 s0, v0;
	v37 =	vperm.xlane v18, v21;
	s29 =	sadd.s32 $0x400, s29  }
0xb8: {  	v39 =	vor.u32 s30, v0;
	s0 =	sadd.s32 $0xFFFFFCF1, s29;
	v35 =	vld [tilespmem:s1+$0x10];
	p0 =	slt.u32 s31, $0x7C;
	[tilespmem:v28+s20+$0x0] =	vst.idx.msk $0xffff, v30;
	v28 =	vperm.xlane v12, v21;
	v38 =	vor.u32 s2, v0;
	s30 =	sadd.s32 $0xFFFFFFFD, s29  }
0xb9: {  	v42 =	vperm.xlane v17, v21;
	s2 =	sadd.s32 $0xFFFFFDF1, s29;
	s14 =	sadd.s32 $0xFFFFFFF1, s29;
	v40 =	vor.u32 s0, v0;
	v41 =	vld [tilespmem:s1+$0x0];
	s0 =	sadd.s32 $0xFFFFFFFE, s29;
	[tilespmem:v23+s20+$0x0] =	vst.idx.msk $0xffff, v22;
	v22 =	vperm.xlane v13, v21  }
0xba: {  	s16 =	sadd.s32 $0xFFFFFDF2, s29;
	s18 =	sadd.s32 $0xFFFFFEF1, s29;
	v43 =	vor.u32 s2, v0;
	v24 =	vor.u32 s14, v0;
	s2 =	sadd.s32 $0xFFFFFFFF, s29;
	v23 =	vld [tilespmem:s1+$0xFFFFFFF0];
	[tilespmem:v25+s20+$0x0] =	vst.idx.msk $0xffff, v28;
	v25 =	vperm.xlane v14, v21  }
0xbb: {  	v44 =	vor.u32 s16, v0;
	s16 =	sadd.s32 $0xFFFFFDF3, s29;
	v45 =	vor.u32 s18, v0;
	s14 =	sadd.s32 $0xFFFFFF00, s29;
	[tilespmem:v26+s20+$0x0] =	vst.idx.msk $0xffff, v22;
	v22 =	vperm.xlane v15, v21  }
0xbc: {  	s18 =	sadd.s32 $0xFFFFFFF2, s29;
	v47 =	vor.u32 s16, v0;
	s16 =	sadd.s32 $0xFFFFFDF4, s29;
	v46 =	vperm.xlane v4, v29;
	[tilespmem:v33+s20+$0x0] =	vst.idx.msk $0xffff, v25;
	v25 =	vperm.xlane v16, v21  }
0xbd: {  	v28 =	vor.u32 s18, v0;
	v48 =	vor.u32 s16, v0;
	s16 =	sadd.s32 $0xFFFFFDF5, s29;
	v30 =	vperm.xlane v4, v35;
	[tilespmem:v38+s20+$0x0] =	vst.idx.msk $0xffff, v22;
	v21 =	vmovc v35  }
0xbe: {  	s18 =	sadd.s32 $0xFFFFFFF3, s29;
	v35 =	vor.u32 s16, v0;
	s16 =	sadd.s32 $0xFFFFFDF6, s29;
	v38 =	vperm.xlane v4, v41;
	v22 =	vperm.xlane v18, v41;
	[tilespmem:v39+s20+$0x0] =	vst.idx.msk $0xffff, v25  }
0xbf: {  	v49 =	vor.u32 s16, v0;
	s16 =	sadd.s32 $0xFFFFFDF7, s29;
	v25 =	vor.u32 s18, v0;
	s18 =	sadd.s32 $0xFFFFFFF4, s29;
	v39 =	vperm.xlane v4, v23;
	[tilespmem:v36+s20+$0x0] =	vst.idx.msk $0xffff, v42  }
0xc0: {  	s6 =	sadd.s32 $0xFFFFFCF2, s29;
	v33 =	vperm.xlane v5, v21;
	v36 =	vor.u32 s16, v0;
	v26 =	vor.u32 s18, v0;
	[tilespmem:v31+s20+$0x0] =	vst.idx.msk $0xffff, v37  }
0xc1: {  	v42 =	vperm.xlane v5, v23;
	v37 =	vor.u32 s6, v0;
	s6 =	sadd.s32 $0xFFFFFCF3, s29;
	[tilespmem:v45+s20+$0x0] =	vst.idx.msk $0xffff, v38  }
0xc2: {  	v51 =	vperm.xlane v19, v20;
	v31 =	vperm.xlane v6, v21;
	v38 =	vor.u32 s6, v0;
	s6 =	sadd.s32 $0xFFFFFCF4, s29;
	[tilespmem:v32+s20+$0x0] =	vst.idx.msk $0xffff, v34  }
0xc3: {  	v34 =	vor.u32 s6, v0;
	s6 =	sadd.s32 $0xFFFFFCF5, s29;
	v32 =	vperm.xlane v7, v21;
	[tilespmem:v43+s20+$0x0] =	vst.idx.msk $0xffff, v39;
	v39 =	vperm.xlane v6, v23  }
0xc4: {  	v43 =	vperm.xlane v5, v29;
	v45 =	vor.u32 s6, v0;
	s6 =	sadd.s32 $0xFFFFFCF6, s29;
	[tilespmem:v44+s20+$0x0] =	vst.idx.msk $0xffff, v42;
	v42 =	vperm.xlane v7, v23  }
0xc5: {  	v20 =	vmov v41;
	v44 =	vperm.xlane v6, v29;
	v50 =	vor.u32 s6, v0;
	s6 =	sadd.s32 $0xFFFFFCF7, s29;
	[tilespmem:v27+s20+$0x0] =	vst.idx.msk $0xffff, v51  }
0xc6: {  	v27 =	vperm.xlane v7, v29;
	v41 =	vor.u32 s6, v0;
	s6 =	sadd.s32 $0xFFFFFCF8, s29;
	[tilespmem:v47+s20+$0x0] =	vst.idx.msk $0xffff, v39  }
0xc7: {  	v39 =	vperm.xlane v8, v29;
	[tilespmem:v40+s20+$0x0] =	vst.idx.msk $0xffff, v46;
	v40 =	vor.u32 s6, v0;
	s6 =	sadd.s32 $0xFFFFFCF9, s29  }
0xc8: {  	[tilespmem:v37+s20+$0x0] =	vst.idx.msk $0xffff, v43;
	v37 =	vperm.xlane v9, v29;
	v43 =	vor.u32 s6, v0;
	s6 =	sadd.s32 $0xFFFFFCFA, s29  }
0xc9: {  	[tilespmem:v38+s20+$0x0] =	vst.idx.msk $0xffff, v44;
	v38 =	vperm.xlane v10, v29;
	v44 =	vor.u32 s6, v0;
	s6 =	sadd.s32 $0xFFFFFCFB, s29  }
0xca: {  	[tilespmem:v34+s20+$0x0] =	vst.idx.msk $0xffff, v27;
	v27 =	vperm.xlane v11, v29;
	v34 =	vor.u32 s6, v0;
	s6 =	sadd.s32 $0xFFFFFCFC, s29  }
0xcb: {  	[tilespmem:v45+s20+$0x0] =	vst.idx.msk $0xffff, v39;
	v39 =	vperm.xlane v12, v29;
	v45 =	vor.u32 s6, v0;
	s6 =	sadd.s32 $0xFFFFFCFD, s29  }
0xcc: {  	[tilespmem:v50+s20+$0x0] =	vst.idx.msk $0xffff, v37;
	v37 =	vperm.xlane v13, v29;
	v46 =	vor.u32 s6, v0;
	s6 =	sadd.s32 $0xFFFFFEF2, s29  }
0xcd: {  	[tilespmem:v41+s20+$0x0] =	vst.idx.msk $0xffff, v38;
	v38 =	vperm.xlane v14, v29;
	v41 =	vor.u32 s6, v0  }
0xce: {  	[tilespmem:v40+s20+$0x0] =	vst.idx.msk $0xffff, v27;
	v27 =	vperm.xlane v15, v29  }
0xcf: {  	s6 =	sadd.s32 $0xFFFFFCFE, s29;
	v40 =	vperm.xlane v5, v20;
	[tilespmem:v43+s20+$0x0] =	vst.idx.msk $0xffff, v39;
	v39 =	vperm.xlane v16, v29  }
0xd0: {  	v43 =	vor.u32 s6, v0;
	s6 =	sadd.s32 $0xFFFFFCFF, s29;
	[tilespmem:v44+s20+$0x0] =	vst.idx.msk $0xffff, v37;
	v37 =	vperm.xlane v17, v29  }
0xd1: {  	[tilespmem:v34+s20+$0x0] =	vst.idx.msk $0xffff, v38;
	v34 =	vperm.xlane v18, v29;
	v38 =	vor.u32 s6, v0  }
0xd2: {  	s6 =	sadd.s32 $0xFFFFFD00, s29;
	[tilespmem:v41+s20+$0x0] =	vst.idx.msk $0xffff, v40  }
0xd3: {  	[tilespmem:v45+s20+$0x0] =	vst.idx.msk $0xffff, v27;
	v27 =	vor.u32 s6, v0  }
0xd4: {  	[tilespmem:v46+s20+$0x0] =	vst.idx.msk $0xffff, v39  }
0xd5: {  	[tilespmem:v43+s20+$0x0] =	vst.idx.msk $0xffff, v37  }
0xd6: {  	v29 =	vperm.xlane v19, v29;
	s6 =	sadd.s32 $0xFFFFFDF8, s29;
	[tilespmem:v38+s20+$0x0] =	vst.idx.msk $0xffff, v34  }
0xd7: {  	v37 =	vor.u32 s6, v0;
	s6 =	sadd.s32 $0xFFFFFDF9, s29;
	v34 =	vperm.xlane v8, v23;
	[tilespmem:v48+s20+$0x0] =	vst.idx.msk $0xffff, v42  }
0xd8: {  	[tilespmem:v27+s20+$0x0] =	vst.idx.msk $0xffff, v29;
	v27 =	vperm.xlane v9, v23;
	v29 =	vor.u32 s6, v0;
	s6 =	sadd.s32 $0xFFFFFDFA, s29  }
0xd9: {  	[tilespmem:v35+s20+$0x0] =	vst.idx.msk $0xffff, v34;
	v34 =	vperm.xlane v10, v23;
	v35 =	vor.u32 s6, v0;
	s6 =	sadd.s32 $0xFFFFFDFB, s29  }
0xda: {  	[tilespmem:v49+s20+$0x0] =	vst.idx.msk $0xffff, v27;
	v27 =	vperm.xlane v11, v23;
	v38 =	vor.u32 s6, v0;
	s6 =	sadd.s32 $0xFFFFFDFC, s29  }
0xdb: {  	[tilespmem:v36+s20+$0x0] =	vst.idx.msk $0xffff, v34;
	v34 =	vperm.xlane v12, v23;
	v36 =	vor.u32 s6, v0  }
0xdc: {  	[tilespmem:v37+s20+$0x0] =	vst.idx.msk $0xffff, v27;
	v27 =	vperm.xlane v13, v23  }
0xdd: {  	s6 =	sadd.s32 $0xFFFFFEF3, s29;
	[tilespmem:v29+s20+$0x0] =	vst.idx.msk $0xffff, v34;
	v29 =	vperm.xlane v14, v23  }
0xde: {  	s16 =	sadd.s32 $0xFFFFFDFD, s29;
	v34 =	vor.u32 s6, v0;
	[tilespmem:v35+s20+$0x0] =	vst.idx.msk $0xffff, v27;
	v27 =	vperm.xlane v15, v23  }
0xdf: {  	s6 =	sadd.s32 $0xFFFFFDFE, s29;
	[tilespmem:v38+s20+$0x0] =	vst.idx.msk $0xffff, v29;
	v29 =	vor.u32 s16, v0  }
0xe0: {  	[tilespmem:v36+s20+$0x0] =	vst.idx.msk $0xffff, v27;
	v27 =	vor.u32 s6, v0;
	s6 =	sadd.s32 $0xFFFFFDFF, s29  }
0xe1: {  	v36 =	vperm.xlane v6, v20;
	v35 =	vor.u32 s6, v0;
	s6 =	sadd.s32 $0xFFFFFE00, s29;
	[tilespmem:v24+s20+$0x0] =	vst.idx.msk $0xffff, v30  }
0xe2: {  	v24 =	vperm.xlane v16, v23;
	v30 =	vor.u32 s6, v0;
	[tilespmem:v28+s20+$0x0] =	vst.idx.msk $0xffff, v33  }
0xe3: {  	v28 =	vperm.xlane v17, v23;
	[tilespmem:v34+s20+$0x0] =	vst.idx.msk $0xffff, v36  }
0xe4: {  	s6 =	sadd.s32 $0xFFFFFFF5, s29;
	[tilespmem:v29+s20+$0x0] =	vst.idx.msk $0xffff, v24;
	v24 =	vperm.xlane v18, v23  }
0xe5: {  	v23 =	vperm.xlane v19, v23;
	[tilespmem:v27+s20+$0x0] =	vst.idx.msk $0xffff, v28;
	v27 =	vor.u32 s6, v0;
	s6 =	sadd.s32 $0xFFFFFFF6, s29  }
0xe6: {  	[tilespmem:v35+s20+$0x0] =	vst.idx.msk $0xffff, v24;
	v24 =	vor.u32 s6, v0;
	s6 =	sadd.s32 $0xFFFFFFF7, s29  }
0xe7: {  	s16 =	sadd.s32 $0xFFFFFEF4, s29;
	[tilespmem:v30+s20+$0x0] =	vst.idx.msk $0xffff, v23;
	v23 =	vor.u32 s6, v0  }
0xe8: {  	v28 =	vor.u32 s16, v0;
	s6 =	sadd.s32 $0xFFFFFEF5, s29;
	[tilespmem:v25+s20+$0x0] =	vst.idx.msk $0xffff, v31;
	v25 =	vperm.xlane v8, v21  }
0xe9: {  	v29 =	vor.u32 s6, v0;
	s6 =	sadd.s32 $0xFFFFFEF6, s29;
	[tilespmem:v26+s20+$0x0] =	vst.idx.msk $0xffff, v32;
	v26 =	vperm.xlane v9, v21  }
0xea: {  	v30 =	vor.u32 s6, v0;
	s6 =	sadd.s32 $0xFFFFFEF7, s29;
	[tilespmem:v27+s20+$0x0] =	vst.idx.msk $0xffff, v25;
	v25 =	vperm.xlane v10, v21  }
0xeb: {  	v27 =	vperm.xlane v7, v20;
	v31 =	vor.u32 s6, v0;
	s6 =	sadd.s32 $0xFFFFFEF8, s29;
	[tilespmem:v24+s20+$0x0] =	vst.idx.msk $0xffff, v26  }
0xec: {  	v24 =	vperm.xlane v8, v20;
	v26 =	vor.u32 s6, v0;
	s6 =	sadd.s32 $0xFFFFFEF9, s29;
	[tilespmem:v23+s20+$0x0] =	vst.idx.msk $0xffff, v25  }
0xed: {  	v23 =	vperm.xlane v9, v20;
	v25 =	vor.u32 s6, v0;
	s6 =	sadd.s32 $0xFFFFFEFA, s29;
	[tilespmem:v28+s20+$0x0] =	vst.idx.msk $0xffff, v27  }
0xee: {  	v27 =	vor.u32 s6, v0;
	s6 =	sadd.s32 $0xFFFFFEFB, s29;
	[tilespmem:v29+s20+$0x0] =	vst.idx.msk $0xffff, v24;
	v24 =	vperm.xlane v10, v20  }
0xef: {  	v29 =	vor.u32 s6, v0;
	s6 =	sadd.s32 $0xFFFFFEFC, s29;
	[tilespmem:v30+s20+$0x0] =	vst.idx.msk $0xffff, v23;
	v23 =	vperm.xlane v11, v20  }
0xf0: {  	v30 =	vor.u32 s6, v0;
	s6 =	sadd.s32 $0xFFFFFEFD, s29;
	[tilespmem:v31+s20+$0x0] =	vst.idx.msk $0xffff, v24;
	v24 =	vperm.xlane v12, v20  }
0xf1: {  	[tilespmem:v26+s20+$0x0] =	vst.idx.msk $0xffff, v23;
	v23 =	vperm.xlane v13, v20;
	v26 =	vor.u32 s6, v0;
	s6 =	sadd.s32 $0xFFFFFEFE, s29  }
.Ltmp0:
0xf2: {  	[tilespmem:v25+s20+$0x0] =	vst.idx.msk $0xffff, v24;
	v25 =	vperm.xlane v14, v20;
	v24 =	vor.u32 s6, v0;
	s6 =	sadd.s32 $0xFFFFFFF8, s29;
	(pc) =	sbr.rel @p0 .LBB2_3-.Ltmp0, $4  }
0xf3: {  	s16 =	sadd.s32 $0xFFFFFEFF, s29;
	v31 =	vperm.xlane v15, v20;
	[tilespmem:v27+s20+$0x0] =	vst.idx.msk $0xffff, v23;
	v27 =	vor.u32 s14, v0;
	v28 =	vor.u32 s6, v0  }
0xf4: {  	v32 =	vor.u32 s29, v0;
	v23 =	vor.u32 s16, v0;
	s6 =	sadd.s32 $0xFFFFFFF9, s29;
	[tilespmem:v29+s20+$0x0] =	vst.idx.msk $0xffff, v25;
	v29 =	vperm.xlane v16, v20  }
0xf5: {  	v33 =	vperm.xlane v17, v20;
	v34 =	vperm.xlane v19, v21;
	v25 =	vor.u32 s6, v0;
	s6 =	sadd.s32 $0xFFFFFFFA, s29;
	[tilespmem:v30+s20+$0x0] =	vst.idx.msk $0xffff, v31  }
0xf6: {  	s1 =	sadd.s32 $0x40, s1;
	s14 =	sadd.s32 $0xFFFFFFFB, s29;
	v30 =	vperm.xlane v11, v21;
	v31 =	vor.u32 s2, v0;
	[tilespmem:v26+s20+$0x0] =	vst.idx.msk $0xffff, v29;
	v26 =	vor.u32 s6, v0  }
0xf7: {  	_ =	sdelay $0x3  }
0xf8: {  	[tilespmem:v24+s20+$0x0] =	vst.idx.msk $0xffff, v33  }
0xf9: {  	v24 =	vor.u32 s14, v0;
	s1 =	sadd.s32 $0xFFFFFFFC, s29;
	v20 =	vperm.xlane v19, v20;
	[tilespmem:v28+s20+$0x0] =	vst.idx.msk $0xffff, v30  }
0xfa: {  	v28 =	vperm.xlane v12, v21;
	v29 =	vor.u32 s1, v0;
	[tilespmem:v23+s20+$0x0] =	vst.idx.msk $0xffff, v22  }
0xfb: {  	v30 =	vor.u32 s30, v0;
	v22 =	vperm.xlane v13, v21;
	[tilespmem:v27+s20+$0x0] =	vst.idx.msk $0xffff, v20  }
0xfc: {  	v23 =	vor.u32 s0, v0;
	[tilespmem:v25+s20+$0x0] =	vst.idx.msk $0xffff, v28;
	v25 =	vperm.xlane v14, v21  }
0xfd: {  	[tilespmem:v26+s20+$0x0] =	vst.idx.msk $0xffff, v22;
	v22 =	vperm.xlane v15, v21  }
0xfe: {  	[tilespmem:v24+s20+$0x0] =	vst.idx.msk $0xffff, v25;
	v24 =	vperm.xlane v16, v21  }
0xff: {  	v25 =	vperm.xlane v17, v21;
	[tilespmem:v29+s20+$0x0] =	vst.idx.msk $0xffff, v22  }
0x100: {  	p0 =	seq.s32 s28, $0x18;
	v21 =	vperm.xlane v18, v21;
	[tilespmem:v30+s20+$0x0] =	vst.idx.msk $0xffff, v24  }
0x101: {  	s0 =	sadd.s32 @!p0 s26, s9;
	[tilespmem:v23+s20+$0x0] =	vst.idx.msk $0xffff, v25  }
0x102: {  	s0 =	sshrl.u32 @!p0 s0, $0x3;
	[tilespmem:v31+s20+$0x0] =	vst.idx.msk $0xffff, v21  }
0x103: {  	s16 =	sshll.u32 s28, $0x10;
	s1 =	simm.s32 @!p0 $0x0;
	s0 =	sadd.s32 @!p0 s5, s0;
	[tilespmem:v32+s20+$0x0] =	vst.idx.msk $0xffff, v34  }
0x104: {  	[tilespmem:s1], [sflag:$0x1] =	stream.linear.gather @!p0 [hbm4b:s0+s1], $0x800, $0x38;
	[tilespmem:$0x11580] =	vst v63  }
0x105: {  	s0 =	sadd.s32 s10, s16  }
0x106: {  	s0 =	sshrl.u32 s0, $0x3  }
0x107: {  	s0 =	sadd.s32 s3, s0  }
0x108: {  	[hbm4b:s0+s4] =	stream.linear.scatter [tilespmem:s20], [sflag:$0x3], $0x8000, $0x38;
	[tilespmem:$0x11580] =	vst v63  }
0x109: {  	_ =	swait.ge [sflag:s21], $0x800  }
0x10a: {  	[sflag:s21] =	ssyncset.done $0x0  }
0x10b: {  	s0 =	simm.s32 @!p1 $0x4;
	[sflag:s21] =	ssyncadd.s32 $0xFFFFF800  }
0x10c: {  	_ =	swait.ge @!p1 [sflag:s0], $0x8000  }
0x10d: {  	[sflag:s0] =	ssyncset.done @!p1 $0x0  }
0x10e: {  	[sflag:s0] =	ssyncadd.s32 @!p1 $0xFFFF8000;
	s0 =	simm.s32 $0x820  }
0x10f: {  	v20 =	vld [tilespmem:s0+$0x0]  }
0x110: {  	s18 =	simm.s32 $0x200;
	v22 =	vld [tilespmem:s0+$0xFFFFFFF0]  }
0x111: {  	s2 =	simm.s32 $0x100;
	v21 =	vor.u32 s18, v0  }
0x112: {  	s6 =	simm.s32 $0x101;
	v23 =	vor.u32 s2, v0  }
0x113: {  	s8 =	simm.s32 $0x102;
	v25 =	vor.u32 s6, v0;
	v24 =	vld [tilespmem:s0+$0xFFFFFFE0]  }
0x114: {  	s14 =	simm.s32 $0x0;
	v26 =	vor.u32 s8, v0;
	v27 =	vperm.xlane v4, v20  }
0x115: {  	v28 =	vor.u32 s14, v0;
	s16 =	simm.s32 $0x1;
	v29 =	vperm.xlane v4, v22  }
0x116: {  	s18 =	simm.s32 $0x2;
	v30 =	vor.u32 s16, v0;
	v31 =	vperm.xlane v5, v22;
	[tilespmem:v21+s22+$0x0] =	vst.idx.msk $0xffff, v27  }
0x117: {  	s2 =	simm.s32 $0x3;
	v21 =	vor.u32 s18, v0;
	[tilespmem:v23+s22+$0x0] =	vst.idx.msk $0xffff, v29;
	v23 =	vperm.xlane v6, v22  }
0x118: {  	s6 =	simm.s32 $0x4;
	v27 =	vperm.xlane v4, v24;
	v29 =	vor.u32 s2, v0;
	[tilespmem:v25+s22+$0x0] =	vst.idx.msk $0xffff, v31  }
0x119: {  	s8 =	simm.s32 $0x5;
	v25 =	vperm.xlane v5, v24;
	v31 =	vor.u32 s6, v0;
	[tilespmem:v26+s22+$0x0] =	vst.idx.msk $0xffff, v23  }
0x11a: {  	s14 =	simm.s32 $0x6;
	v23 =	vperm.xlane v6, v24;
	v26 =	vor.u32 s8, v0;
	[tilespmem:v28+s22+$0x0] =	vst.idx.msk $0xffff, v27  }
0x11b: {  	s16 =	simm.s32 $0x7;
	v27 =	vperm.xlane v7, v24;
	v28 =	vor.u32 s14, v0;
	[tilespmem:v30+s22+$0x0] =	vst.idx.msk $0xffff, v25  }
0x11c: {  	s18 =	simm.s32 $0x8;
	v25 =	vperm.xlane v8, v24;
	v30 =	vor.u32 s16, v0;
	[tilespmem:v21+s22+$0x0] =	vst.idx.msk $0xffff, v23  }
0x11d: {  	s2 =	simm.s32 $0x9;
	v21 =	vperm.xlane v9, v24;
	v23 =	vor.u32 s18, v0;
	[tilespmem:v29+s22+$0x0] =	vst.idx.msk $0xffff, v27  }
0x11e: {  	s6 =	simm.s32 $0xA;
	v27 =	vperm.xlane v10, v24;
	v29 =	vor.u32 s2, v0;
	[tilespmem:v31+s22+$0x0] =	vst.idx.msk $0xffff, v25  }
0x11f: {  	s8 =	simm.s32 $0x201;
	v25 =	vperm.xlane v11, v24;
	v31 =	vor.u32 s6, v0;
	[tilespmem:v26+s22+$0x0] =	vst.idx.msk $0xffff, v21  }
0x120: {  	s14 =	simm.s32 $0xB;
	v21 =	vperm.xlane v12, v24;
	v26 =	vor.u32 s8, v0;
	[tilespmem:v28+s22+$0x0] =	vst.idx.msk $0xffff, v27  }
0x121: {  	s16 =	simm.s32 $0xC;
	v27 =	vor.u32 s14, v0;
	v28 =	vperm.xlane v13, v24;
	[tilespmem:v30+s22+$0x0] =	vst.idx.msk $0xffff, v25  }
0x122: {  	s18 =	simm.s32 $0xD;
	v25 =	vor.u32 s16, v0;
	v30 =	vperm.xlane v14, v24;
	[tilespmem:v23+s22+$0x0] =	vst.idx.msk $0xffff, v21  }
0x123: {  	s2 =	simm.s32 $0xE;
	v21 =	vperm.xlane v5, v20;
	v23 =	vor.u32 s18, v0;
	[tilespmem:v29+s22+$0x0] =	vst.idx.msk $0xffff, v28  }
0x124: {  	s6 =	simm.s32 $0x103;
	v28 =	vperm.xlane v15, v24;
	v29 =	vor.u32 s2, v0;
	[tilespmem:v31+s22+$0x0] =	vst.idx.msk $0xffff, v30  }
0x125: {  	s8 =	simm.s32 $0xF;
	v30 =	vor.u32 s6, v0;
	v31 =	vperm.xlane v16, v24;
	[tilespmem:v26+s22+$0x0] =	vst.idx.msk $0xffff, v21  }
0x126: {  	s14 =	simm.s32 $0x104;
	v21 =	vperm.xlane v17, v24;
	v26 =	vor.u32 s8, v0;
	[tilespmem:v27+s22+$0x0] =	vst.idx.msk $0xffff, v28  }
0x127: {  	s16 =	simm.s32 $0x105;
	v27 =	vor.u32 s14, v0;
	v28 =	vperm.xlane v18, v24;
	[tilespmem:v25+s22+$0x0] =	vst.idx.msk $0xffff, v31  }
0x128: {  	s18 =	simm.s32 $0x106;
	v25 =	vor.u32 s16, v0;
	v31 =	vperm.xlane v7, v22;
	[tilespmem:v23+s22+$0x0] =	vst.idx.msk $0xffff, v21  }
0x129: {  	s2 =	simm.s32 $0x107;
	v23 =	vor.u32 s18, v0;
	v21 =	vperm.xlane v19, v24;
	[tilespmem:v29+s22+$0x0] =	vst.idx.msk $0xffff, v28  }
0x12a: {  	s6 =	simm.s32 $0x108;
	v24 =	vperm.xlane v8, v22;
	v28 =	vor.u32 s2, v0;
	[tilespmem:v30+s22+$0x0] =	vst.idx.msk $0xffff, v31  }
0x12b: {  	s8 =	simm.s32 $0x109;
	v29 =	vor.u32 s6, v0;
	[tilespmem:v26+s22+$0x0] =	vst.idx.msk $0xffff, v21;
	v26 =	vperm.xlane v9, v22  }
0x12c: {  	s14 =	simm.s32 $0x10A;
	[tilespmem:v27+s22+$0x0] =	vst.idx.msk $0xffff, v24;
	v24 =	vperm.xlane v10, v22;
	v27 =	vor.u32 s8, v0  }
0x12d: {  	s16 =	simm.s32 $0x10B;
	v21 =	vld [tilespmem:s0+$0x10];
	[tilespmem:v25+s22+$0x0] =	vst.idx.msk $0xffff, v26;
	v25 =	vperm.xlane v11, v22;
	v26 =	vor.u32 s14, v0  }
0x12e: {  	s18 =	simm.s32 $0x300;
	[tilespmem:v23+s22+$0x0] =	vst.idx.msk $0xffff, v24;
	v23 =	vperm.xlane v12, v22;
	v24 =	vor.u32 s16, v0  }
0x12f: {  	s1 =	simm.s32 $0x301;
	v30 =	vor.u32 s18, v0;
	[tilespmem:v28+s22+$0x0] =	vst.idx.msk $0xffff, v25;
	v25 =	vperm.xlane v13, v22  }
0x130: {  	s2 =	simm.s32 $0x202;
	v28 =	vor.u32 s1, v0;
	[tilespmem:v29+s22+$0x0] =	vst.idx.msk $0xffff, v23;
	v23 =	vperm.xlane v14, v22  }
0x131: {  	s6 =	simm.s32 $0x10C;
	[tilespmem:v27+s22+$0x0] =	vst.idx.msk $0xffff, v25;
	v25 =	vperm.xlane v15, v22;
	v27 =	vor.u32 s2, v0  }
0x132: {  	s8 =	simm.s32 $0x10D;
	v29 =	vperm.xlane v4, v21;
	[tilespmem:v26+s22+$0x0] =	vst.idx.msk $0xffff, v23;
	v23 =	vor.u32 s6, v0  }
0x133: {  	s14 =	simm.s32 $0x10E;
	v26 =	vperm.xlane v5, v21;
	[tilespmem:v24+s22+$0x0] =	vst.idx.msk $0xffff, v25;
	v24 =	vor.u32 s8, v0  }
0x134: {  	v31 =	vperm.xlane v6, v20;
	s16 =	simm.s32 $0x10F;
	[tilespmem:v30+s22+$0x0] =	vst.idx.msk $0xffff, v29;
	v25 =	vor.u32 s14, v0  }
0x135: {  	s18 =	simm.s32 $0x302;
	v29 =	vperm.xlane v16, v22;
	v30 =	vor.u32 s16, v0;
	[tilespmem:v28+s22+$0x0] =	vst.idx.msk $0xffff, v26  }
0x136: {  	s2 =	simm.s32 $0x303;
	v26 =	vor.u32 s18, v0;
	v28 =	vperm.xlane v17, v22;
	[tilespmem:v27+s22+$0x0] =	vst.idx.msk $0xffff, v31  }
0x137: {  	s6 =	simm.s32 $0x304;
	v27 =	vor.u32 s2, v0;
	[tilespmem:v23+s22+$0x0] =	vst.idx.msk $0xffff, v29;
	v23 =	vperm.xlane v18, v22  }
0x138: {  	s8 =	simm.s32 $0x305;
	v22 =	vperm.xlane v19, v22;
	[tilespmem:v24+s22+$0x0] =	vst.idx.msk $0xffff, v28;
	v24 =	vor.u32 s6, v0  }
0x139: {  	s14 =	simm.s32 $0x306;
	v28 =	vperm.xlane v6, v21;
	[tilespmem:v25+s22+$0x0] =	vst.idx.msk $0xffff, v23;
	v23 =	vor.u32 s8, v0  }
0x13a: {  	s16 =	simm.s32 $0x203;
	v25 =	vperm.xlane v7, v21;
	[tilespmem:v30+s22+$0x0] =	vst.idx.msk $0xffff, v22;
	v22 =	vor.u32 s14, v0  }
0x13b: {  	s18 =	simm.s32 $0x204;
	v29 =	vor.u32 s16, v0;
	[tilespmem:v26+s22+$0x0] =	vst.idx.msk $0xffff, v28;
	v26 =	vperm.xlane v8, v21  }
0x13c: {  	s1 =	simm.s32 $0x205;
	v28 =	vor.u32 s18, v0;
	[tilespmem:v27+s22+$0x0] =	vst.idx.msk $0xffff, v25;
	v25 =	vperm.xlane v9, v21  }
0x13d: {  	s2 =	simm.s32 $0x206;
	v27 =	vor.u32 s1, v0;
	[tilespmem:v24+s22+$0x0] =	vst.idx.msk $0xffff, v26;
	v24 =	vperm.xlane v10, v21  }
0x13e: {  	s6 =	simm.s32 $0x207;
	v30 =	vor.u32 s2, v0;
	v26 =	vperm.xlane v7, v20;
	[tilespmem:v23+s22+$0x0] =	vst.idx.msk $0xffff, v25  }
0x13f: {  	s8 =	simm.s32 $0x208;
	v23 =	vperm.xlane v8, v20;
	v25 =	vor.u32 s6, v0;
	[tilespmem:v22+s22+$0x0] =	vst.idx.msk $0xffff, v24  }
0x140: {  	s14 =	simm.s32 $0x209;
	[tilespmem:v29+s22+$0x0] =	vst.idx.msk $0xffff, v26;
	v22 =	vperm.xlane v9, v20;
	v24 =	vor.u32 s8, v0  }
0x141: {  	s16 =	simm.s32 $0x20A;
	v26 =	vor.u32 s14, v0;
	[tilespmem:v28+s22+$0x0] =	vst.idx.msk $0xffff, v23;
	v23 =	vperm.xlane v10, v20  }
0x142: {  	s18 =	simm.s32 $0x20B;
	v29 =	vor.u32 s16, v0;
	[tilespmem:v27+s22+$0x0] =	vst.idx.msk $0xffff, v22;
	v22 =	vperm.xlane v11, v20  }
0x143: {  	s1 =	simm.s32 $0x20C;
	[tilespmem:v30+s22+$0x0] =	vst.idx.msk $0xffff, v23;
	v23 =	vperm.xlane v12, v20;
	v30 =	vor.u32 s18, v0  }
0x144: {  	s30 =	simm.s32 $0x30F;
	s2 =	simm.s32 $0x20D;
	v31 =	vor.u32 s1, v0;
	[tilespmem:v25+s22+$0x0] =	vst.idx.msk $0xffff, v22;
	v25 =	vperm.xlane v13, v20  }
0x145: {  	v32 =	vor.u32 s30, v0;
	s8 =	simm.s32 $0x307;
	[tilespmem:v24+s22+$0x0] =	vst.idx.msk $0xffff, v23;
	v23 =	vperm.xlane v14, v20;
	v24 =	vor.u32 s2, v0  }
0x146: {  	s28 =	sadd.s32 $0x1, s28;
	s29 =	sadd.s32 s26, s11;
	v33 =	vperm.xlane v17, v20;
	s14 =	simm.s32 $0x20E;
	v28 =	vor.u32 s8, v0;
	[tilespmem:v26+s22+$0x0] =	vst.idx.msk $0xffff, v25;
	v25 =	vperm.xlane v15, v20  }
0x147: {  	s31 =	simm.s32 $0x30C;
	v34 =	vperm.xlane v19, v21;
	s6 =	simm.s32 $0x20F;
	s16 =	simm.s32 $0x308;
	v26 =	vperm.xlane v16, v20;
	[tilespmem:v29+s22+$0x0] =	vst.idx.msk $0xffff, v23;
	v23 =	vor.u32 s14, v0  }
0x148: {  	s0 =	simm.s32 $0x860;
	v27 =	vor.u32 s6, v0;
	s6 =	simm.s32 $0x30E;
	s18 =	simm.s32 $0x309;
	v22 =	vperm.xlane v18, v20;
	[tilespmem:v30+s22+$0x0] =	vst.idx.msk $0xffff, v25;
	v25 =	vor.u32 s16, v0  }
0x149: {  	s1 =	simm.s32 $0x0;
	s2 =	simm.s32 $0x30D;
	v30 =	vperm.xlane v11, v21;
	s16 =	simm.s32 $0x30A;
	[tilespmem:v31+s22+$0x0] =	vst.idx.msk $0xffff, v26;
	v26 =	vor.u32 s18, v0;
	v31 =	vor.u32 s6, v0  }
.LBB2_5:
0x14a: {  	v29 =	vld [tilespmem:s0+$0xFFFFFFE0];
	s1 =	sadd.s32 $0x4, s1;
	[tilespmem:v24+s22+$0x0] =	vst.idx.msk $0xffff, v33;
	v33 =	vor.u32 s16, v0;
	s6 =	sadd.s32 $0xFFFFFFFC, s30;
	v36 =	vor.u32 s2, v0;
	v37 =	vperm.xlane v18, v21;
	s30 =	sadd.s32 $0x400, s30  }
0x14b: {  	v39 =	vor.u32 s31, v0;
	s2 =	sadd.s32 $0xFFFFFCF1, s30;
	v35 =	vld [tilespmem:s0+$0x10];
	p1 =	slt.u32 s1, $0x7C;
	[tilespmem:v28+s22+$0x0] =	vst.idx.msk $0xffff, v30;
	v28 =	vperm.xlane v12, v21;
	v38 =	vor.u32 s6, v0;
	s31 =	sadd.s32 $0xFFFFFFFD, s30  }
0x14c: {  	v42 =	vperm.xlane v17, v21;
	s6 =	sadd.s32 $0xFFFFFDF1, s30;
	s14 =	sadd.s32 $0xFFFFFFF1, s30;
	v40 =	vor.u32 s2, v0;
	v41 =	vld [tilespmem:s0+$0x0];
	s2 =	sadd.s32 $0xFFFFFFFE, s30;
	[tilespmem:v23+s22+$0x0] =	vst.idx.msk $0xffff, v22;
	v22 =	vperm.xlane v13, v21  }
0x14d: {  	s16 =	sadd.s32 $0xFFFFFEF1, s30;
	v43 =	vor.u32 s6, v0;
	s6 =	sadd.s32 $0xFFFFFDF2, s30;
	v24 =	vor.u32 s14, v0;
	s14 =	sadd.s32 $0xFFFFFFFF, s30;
	v23 =	vld [tilespmem:s0+$0xFFFFFFF0];
	[tilespmem:v25+s22+$0x0] =	vst.idx.msk $0xffff, v28;
	v25 =	vperm.xlane v14, v21  }
0x14e: {  	v45 =	vor.u32 s16, v0;
	s16 =	sadd.s32 $0xFFFFFF00, s30;
	v44 =	vor.u32 s6, v0;
	s6 =	sadd.s32 $0xFFFFFDF3, s30;
	[tilespmem:v26+s22+$0x0] =	vst.idx.msk $0xffff, v22;
	v22 =	vperm.xlane v15, v21  }
0x14f: {  	s18 =	sadd.s32 $0xFFFFFFF2, s30;
	v47 =	vor.u32 s6, v0;
	s6 =	sadd.s32 $0xFFFFFDF4, s30;
	v46 =	vperm.xlane v4, v29;
	[tilespmem:v33+s22+$0x0] =	vst.idx.msk $0xffff, v25;
	v25 =	vperm.xlane v16, v21  }
0x150: {  	v28 =	vor.u32 s18, v0;
	v48 =	vor.u32 s6, v0;
	s6 =	sadd.s32 $0xFFFFFDF5, s30;
	v30 =	vperm.xlane v4, v35;
	[tilespmem:v38+s22+$0x0] =	vst.idx.msk $0xffff, v22;
	v21 =	vmovc v35  }
0x151: {  	s18 =	sadd.s32 $0xFFFFFFF3, s30;
	v35 =	vor.u32 s6, v0;
	s6 =	sadd.s32 $0xFFFFFDF6, s30;
	v38 =	vperm.xlane v4, v41;
	v22 =	vperm.xlane v18, v41;
	[tilespmem:v39+s22+$0x0] =	vst.idx.msk $0xffff, v25  }
0x152: {  	v49 =	vor.u32 s6, v0;
	s6 =	sadd.s32 $0xFFFFFDF7, s30;
	v25 =	vor.u32 s18, v0;
	s18 =	sadd.s32 $0xFFFFFFF4, s30;
	v39 =	vperm.xlane v4, v23;
	[tilespmem:v36+s22+$0x0] =	vst.idx.msk $0xffff, v42  }
0x153: {  	s8 =	sadd.s32 $0xFFFFFCF2, s30;
	v33 =	vperm.xlane v5, v21;
	v36 =	vor.u32 s6, v0;
	v26 =	vor.u32 s18, v0;
	[tilespmem:v31+s22+$0x0] =	vst.idx.msk $0xffff, v37  }
0x154: {  	s6 =	sadd.s32 $0xFFFFFCF3, s30;
	v42 =	vperm.xlane v5, v23;
	v37 =	vor.u32 s8, v0;
	[tilespmem:v45+s22+$0x0] =	vst.idx.msk $0xffff, v38  }
0x155: {  	v51 =	vperm.xlane v19, v20;
	v31 =	vperm.xlane v6, v21;
	v38 =	vor.u32 s6, v0;
	s6 =	sadd.s32 $0xFFFFFCF4, s30;
	[tilespmem:v32+s22+$0x0] =	vst.idx.msk $0xffff, v34  }
0x156: {  	v34 =	vor.u32 s6, v0;
	s6 =	sadd.s32 $0xFFFFFCF5, s30;
	v32 =	vperm.xlane v7, v21;
	[tilespmem:v43+s22+$0x0] =	vst.idx.msk $0xffff, v39;
	v39 =	vperm.xlane v6, v23  }
0x157: {  	v43 =	vperm.xlane v5, v29;
	v45 =	vor.u32 s6, v0;
	s6 =	sadd.s32 $0xFFFFFCF6, s30;
	[tilespmem:v44+s22+$0x0] =	vst.idx.msk $0xffff, v42;
	v42 =	vperm.xlane v7, v23  }
0x158: {  	v20 =	vmov v41;
	v44 =	vperm.xlane v6, v29;
	v50 =	vor.u32 s6, v0;
	s6 =	sadd.s32 $0xFFFFFCF7, s30;
	[tilespmem:v27+s22+$0x0] =	vst.idx.msk $0xffff, v51  }
0x159: {  	v27 =	vperm.xlane v7, v29;
	v41 =	vor.u32 s6, v0;
	s6 =	sadd.s32 $0xFFFFFCF8, s30;
	[tilespmem:v47+s22+$0x0] =	vst.idx.msk $0xffff, v39  }
0x15a: {  	v39 =	vperm.xlane v8, v29;
	[tilespmem:v40+s22+$0x0] =	vst.idx.msk $0xffff, v46;
	v40 =	vor.u32 s6, v0;
	s6 =	sadd.s32 $0xFFFFFCF9, s30  }
0x15b: {  	[tilespmem:v37+s22+$0x0] =	vst.idx.msk $0xffff, v43;
	v37 =	vperm.xlane v9, v29;
	v43 =	vor.u32 s6, v0;
	s6 =	sadd.s32 $0xFFFFFCFA, s30  }
0x15c: {  	[tilespmem:v38+s22+$0x0] =	vst.idx.msk $0xffff, v44;
	v38 =	vperm.xlane v10, v29;
	v44 =	vor.u32 s6, v0;
	s6 =	sadd.s32 $0xFFFFFCFB, s30  }
0x15d: {  	[tilespmem:v34+s22+$0x0] =	vst.idx.msk $0xffff, v27;
	v27 =	vperm.xlane v11, v29;
	v34 =	vor.u32 s6, v0;
	s6 =	sadd.s32 $0xFFFFFCFC, s30  }
0x15e: {  	[tilespmem:v45+s22+$0x0] =	vst.idx.msk $0xffff, v39;
	v39 =	vperm.xlane v12, v29;
	v45 =	vor.u32 s6, v0;
	s6 =	sadd.s32 $0xFFFFFCFD, s30  }
0x15f: {  	[tilespmem:v50+s22+$0x0] =	vst.idx.msk $0xffff, v37;
	v37 =	vperm.xlane v13, v29;
	v46 =	vor.u32 s6, v0;
	s6 =	sadd.s32 $0xFFFFFEF2, s30  }
0x160: {  	[tilespmem:v41+s22+$0x0] =	vst.idx.msk $0xffff, v38;
	v38 =	vperm.xlane v14, v29;
	v41 =	vor.u32 s6, v0  }
0x161: {  	[tilespmem:v40+s22+$0x0] =	vst.idx.msk $0xffff, v27;
	v27 =	vperm.xlane v15, v29  }
0x162: {  	s6 =	sadd.s32 $0xFFFFFCFE, s30;
	v40 =	vperm.xlane v5, v20;
	[tilespmem:v43+s22+$0x0] =	vst.idx.msk $0xffff, v39;
	v39 =	vperm.xlane v16, v29  }
0x163: {  	v43 =	vor.u32 s6, v0;
	s6 =	sadd.s32 $0xFFFFFCFF, s30;
	[tilespmem:v44+s22+$0x0] =	vst.idx.msk $0xffff, v37;
	v37 =	vperm.xlane v17, v29  }
0x164: {  	[tilespmem:v34+s22+$0x0] =	vst.idx.msk $0xffff, v38;
	v34 =	vperm.xlane v18, v29;
	v38 =	vor.u32 s6, v0  }
0x165: {  	s6 =	sadd.s32 $0xFFFFFD00, s30;
	[tilespmem:v41+s22+$0x0] =	vst.idx.msk $0xffff, v40  }
0x166: {  	[tilespmem:v45+s22+$0x0] =	vst.idx.msk $0xffff, v27;
	v27 =	vor.u32 s6, v0  }
0x167: {  	[tilespmem:v46+s22+$0x0] =	vst.idx.msk $0xffff, v39  }
0x168: {  	[tilespmem:v43+s22+$0x0] =	vst.idx.msk $0xffff, v37  }
0x169: {  	v29 =	vperm.xlane v19, v29;
	s6 =	sadd.s32 $0xFFFFFDF8, s30;
	[tilespmem:v38+s22+$0x0] =	vst.idx.msk $0xffff, v34  }
0x16a: {  	v37 =	vor.u32 s6, v0;
	s6 =	sadd.s32 $0xFFFFFDF9, s30;
	v34 =	vperm.xlane v8, v23;
	[tilespmem:v48+s22+$0x0] =	vst.idx.msk $0xffff, v42  }
0x16b: {  	[tilespmem:v27+s22+$0x0] =	vst.idx.msk $0xffff, v29;
	v27 =	vperm.xlane v9, v23;
	v29 =	vor.u32 s6, v0;
	s6 =	sadd.s32 $0xFFFFFDFA, s30  }
0x16c: {  	[tilespmem:v35+s22+$0x0] =	vst.idx.msk $0xffff, v34;
	v34 =	vperm.xlane v10, v23;
	v35 =	vor.u32 s6, v0;
	s6 =	sadd.s32 $0xFFFFFDFB, s30  }
0x16d: {  	[tilespmem:v49+s22+$0x0] =	vst.idx.msk $0xffff, v27;
	v27 =	vperm.xlane v11, v23;
	v38 =	vor.u32 s6, v0;
	s6 =	sadd.s32 $0xFFFFFDFC, s30  }
0x16e: {  	[tilespmem:v36+s22+$0x0] =	vst.idx.msk $0xffff, v34;
	v34 =	vperm.xlane v12, v23;
	v36 =	vor.u32 s6, v0  }
0x16f: {  	[tilespmem:v37+s22+$0x0] =	vst.idx.msk $0xffff, v27;
	v27 =	vperm.xlane v13, v23  }
0x170: {  	s6 =	sadd.s32 $0xFFFFFEF3, s30;
	[tilespmem:v29+s22+$0x0] =	vst.idx.msk $0xffff, v34;
	v29 =	vperm.xlane v14, v23  }
0x171: {  	s8 =	sadd.s32 $0xFFFFFDFD, s30;
	v34 =	vor.u32 s6, v0;
	[tilespmem:v35+s22+$0x0] =	vst.idx.msk $0xffff, v27;
	v27 =	vperm.xlane v15, v23  }
0x172: {  	s6 =	sadd.s32 $0xFFFFFDFE, s30;
	[tilespmem:v38+s22+$0x0] =	vst.idx.msk $0xffff, v29;
	v29 =	vor.u32 s8, v0  }
0x173: {  	[tilespmem:v36+s22+$0x0] =	vst.idx.msk $0xffff, v27;
	v27 =	vor.u32 s6, v0;
	s6 =	sadd.s32 $0xFFFFFDFF, s30  }
0x174: {  	v36 =	vperm.xlane v6, v20;
	v35 =	vor.u32 s6, v0;
	s6 =	sadd.s32 $0xFFFFFE00, s30;
	[tilespmem:v24+s22+$0x0] =	vst.idx.msk $0xffff, v30  }
0x175: {  	v24 =	vperm.xlane v16, v23;
	v30 =	vor.u32 s6, v0;
	[tilespmem:v28+s22+$0x0] =	vst.idx.msk $0xffff, v33  }
0x176: {  	v28 =	vperm.xlane v17, v23;
	[tilespmem:v34+s22+$0x0] =	vst.idx.msk $0xffff, v36  }
0x177: {  	s6 =	sadd.s32 $0xFFFFFFF5, s30;
	[tilespmem:v29+s22+$0x0] =	vst.idx.msk $0xffff, v24;
	v24 =	vperm.xlane v18, v23  }
0x178: {  	v23 =	vperm.xlane v19, v23;
	[tilespmem:v27+s22+$0x0] =	vst.idx.msk $0xffff, v28;
	v27 =	vor.u32 s6, v0;
	s6 =	sadd.s32 $0xFFFFFFF6, s30  }
0x179: {  	[tilespmem:v35+s22+$0x0] =	vst.idx.msk $0xffff, v24;
	v24 =	vor.u32 s6, v0;
	s6 =	sadd.s32 $0xFFFFFFF7, s30  }
0x17a: {  	s8 =	sadd.s32 $0xFFFFFEF4, s30;
	[tilespmem:v30+s22+$0x0] =	vst.idx.msk $0xffff, v23;
	v23 =	vor.u32 s6, v0  }
0x17b: {  	v28 =	vor.u32 s8, v0;
	s6 =	sadd.s32 $0xFFFFFEF5, s30;
	[tilespmem:v25+s22+$0x0] =	vst.idx.msk $0xffff, v31;
	v25 =	vperm.xlane v8, v21  }
0x17c: {  	v29 =	vor.u32 s6, v0;
	s6 =	sadd.s32 $0xFFFFFEF6, s30;
	[tilespmem:v26+s22+$0x0] =	vst.idx.msk $0xffff, v32;
	v26 =	vperm.xlane v9, v21  }
0x17d: {  	v30 =	vor.u32 s6, v0;
	s6 =	sadd.s32 $0xFFFFFEF7, s30;
	[tilespmem:v27+s22+$0x0] =	vst.idx.msk $0xffff, v25;
	v25 =	vperm.xlane v10, v21  }
0x17e: {  	v27 =	vperm.xlane v7, v20;
	v31 =	vor.u32 s6, v0;
	s6 =	sadd.s32 $0xFFFFFEF8, s30;
	[tilespmem:v24+s22+$0x0] =	vst.idx.msk $0xffff, v26  }
0x17f: {  	v24 =	vperm.xlane v8, v20;
	v26 =	vor.u32 s6, v0;
	s6 =	sadd.s32 $0xFFFFFEF9, s30;
	[tilespmem:v23+s22+$0x0] =	vst.idx.msk $0xffff, v25  }
0x180: {  	v23 =	vperm.xlane v9, v20;
	v25 =	vor.u32 s6, v0;
	s6 =	sadd.s32 $0xFFFFFEFA, s30;
	[tilespmem:v28+s22+$0x0] =	vst.idx.msk $0xffff, v27  }
0x181: {  	v27 =	vor.u32 s6, v0;
	s6 =	sadd.s32 $0xFFFFFEFB, s30;
	[tilespmem:v29+s22+$0x0] =	vst.idx.msk $0xffff, v24;
	v24 =	vperm.xlane v10, v20  }
0x182: {  	v29 =	vor.u32 s6, v0;
	s6 =	sadd.s32 $0xFFFFFEFC, s30;
	[tilespmem:v30+s22+$0x0] =	vst.idx.msk $0xffff, v23;
	v23 =	vperm.xlane v11, v20  }
0x183: {  	v30 =	vor.u32 s6, v0;
	s6 =	sadd.s32 $0xFFFFFEFD, s30;
	[tilespmem:v31+s22+$0x0] =	vst.idx.msk $0xffff, v24;
	v24 =	vperm.xlane v12, v20  }
0x184: {  	[tilespmem:v26+s22+$0x0] =	vst.idx.msk $0xffff, v23;
	v23 =	vperm.xlane v13, v20;
	v26 =	vor.u32 s6, v0;
	s6 =	sadd.s32 $0xFFFFFEFE, s30  }
.Ltmp1:
0x185: {  	[tilespmem:v25+s22+$0x0] =	vst.idx.msk $0xffff, v24;
	v25 =	vperm.xlane v14, v20;
	v24 =	vor.u32 s6, v0;
	s6 =	sadd.s32 $0xFFFFFFF8, s30;
	(pc) =	sbr.rel @p1 .LBB2_5-.Ltmp1, $4  }
0x186: {  	s8 =	sadd.s32 $0xFFFFFEFF, s30;
	v31 =	vperm.xlane v15, v20;
	[tilespmem:v27+s22+$0x0] =	vst.idx.msk $0xffff, v23;
	v27 =	vor.u32 s16, v0;
	v28 =	vor.u32 s6, v0  }
0x187: {  	v32 =	vor.u32 s30, v0;
	v23 =	vor.u32 s8, v0;
	s6 =	sadd.s32 $0xFFFFFFF9, s30;
	[tilespmem:v29+s22+$0x0] =	vst.idx.msk $0xffff, v25;
	v29 =	vperm.xlane v16, v20  }
0x188: {  	v33 =	vperm.xlane v17, v20;
	v34 =	vperm.xlane v19, v21;
	v25 =	vor.u32 s6, v0;
	s6 =	sadd.s32 $0xFFFFFFFA, s30;
	[tilespmem:v30+s22+$0x0] =	vst.idx.msk $0xffff, v31  }
0x189: {  	s0 =	sadd.s32 $0x40, s0;
	s16 =	sadd.s32 $0xFFFFFFFB, s30;
	v30 =	vperm.xlane v11, v21;
	v31 =	vor.u32 s14, v0;
	[tilespmem:v26+s22+$0x0] =	vst.idx.msk $0xffff, v29;
	v26 =	vor.u32 s6, v0  }
0x18a: {  	_ =	sdelay $0x3  }
0x18b: {  	[tilespmem:v24+s22+$0x0] =	vst.idx.msk $0xffff, v33  }
0x18c: {  	v54 =	vor.u32 s16, v0;
	s0 =	sadd.s32 $0xFFFFFFFC, s30;
	v55 =	vperm.xlane v12, v21;
	[tilespmem:v28+s22+$0x0] =	vst.idx.msk $0xffff, v30  }
0x18d: {  	v20 =	vperm.xlane v19, v20;
	v29 =	vor.u32 s0, v0;
	[tilespmem:v23+s22+$0x0] =	vst.idx.msk $0xffff, v22  }
0x18e: {  	v56 =	vor.u32 s31, v0;
	v57 =	vperm.xlane v13, v21;
	[tilespmem:v25+s22+$0x0] =	vst.idx.msk $0xffff, v55  }
0x18f: {  	v58 =	vor.u32 s2, v0;
	v59 =	vperm.xlane v14, v21;
	[tilespmem:v27+s22+$0x0] =	vst.idx.msk $0xffff, v20  }
0x190: {  	v60 =	vperm.xlane v15, v21;
	[tilespmem:v26+s22+$0x0] =	vst.idx.msk $0xffff, v57  }
0x191: {  	v61 =	vperm.xlane v16, v21;
	[tilespmem:v54+s22+$0x0] =	vst.idx.msk $0xffff, v59  }
0x192: {  	v62 =	vperm.xlane v17, v21;
	[tilespmem:v29+s22+$0x0] =	vst.idx.msk $0xffff, v60  }
0x193: {  	v63 =	vperm.xlane v18, v21;
	[tilespmem:v56+s22+$0x0] =	vst.idx.msk $0xffff, v61  }
0x194: {  	s0 =	sadd.s32 @!p0 s26, s12;
	[tilespmem:v58+s22+$0x0] =	vst.idx.msk $0xffff, v62  }
0x195: {  	s0 =	sshrl.u32 @!p0 s0, $0x3;
	[tilespmem:v31+s22+$0x0] =	vst.idx.msk $0xffff, v63  }
0x196: {  	s1 =	simm.s32 @!p0 $0x0;
	s2 =	simm.s32 @!p0 $0x800;
	s0 =	sadd.s32 @!p0 s5, s0;
	[tilespmem:v32+s22+$0x0] =	vst.idx.msk $0xffff, v34  }
0x197: {  	[tilespmem:s2], [sflag:$0x2] =	stream.linear.gather @!p0 [hbm4b:s0+s1], $0x800, $0x38;
	[tilespmem:$0x11580] =	vst v63  }
0x198: {  	p0 =	sne.s32 s28, $0x19  }
.Ltmp2:
0x199: {  	_ = 	snop;
	(pc) =	sbr.rel @p0 .LBB2_2-.Ltmp2, $4  }
0x19a: {  	s31 =	sshll.u32 s29, $0x1  }
0x19b: {  	s0 =	sand.u32 $0x1FFFF000, s31  }
0x19c: {  	s0 =	sadd.s32 s3, s0  }
0x19d: {  	[hbm4b:s0+s4] =	stream.linear.scatter [tilespmem:s22], [sflag:$0x4], $0x8000, $0x38;
	[tilespmem:$0x11580] =	vst v63  }
0x19e: {  	s25 =	sadd.s32 $0x1, s25  }
0x19f: {  	_ =	swait.ge [sflag:s23], $0x8000;
	p0 =	sne.s32 s25, s13  }
.Ltmp3:
0x1a0: {  	[sflag:s23] =	ssyncset.done $0x0;
	(pc) =	sbr.rel @p0 .LBB2_1-.Ltmp3, $4  }
0x1a1: {  	[sflag:s23] =	ssyncadd.s32 $0xFFFF8000  }
0x1a2: {  	_ =	swait.ge [sflag:s24], $0x8000  }
0x1a3: {  	[sflag:s24] =	ssyncset.done $0x0  }
0x1a4: {  	[sflag:s24] =	ssyncadd.s32 $0xFFFF8000  }
0x1a5: {  	_ =	sfence.sel $0x180000  }
0x1a6: {  	[bflag:$0x0] =	sbarrier.arrive $0xFFFF  }
0x1a7: {  	_ =	strace $0x90000047  }
0x1a8: {  	s0 =	stileid.u32;
	[bflag:$0x2] =	sbarrier.arrive $0xFFFF  }
0x1a9: {  	p0 =	sne.s32 s0, $0x0;
	s0 =	rddreg [dreg:$0x3]  }
0x1aa: {  	s0 =	sadd.s32 @!p0 $0x100000, s0  }
0x1ab: {  	[sflag:s0] =	ssyncadd.tile.s32 @!p0 $0x1;
	_ =	shalt  }
.Lfunc_end2:
_tile_overlayer_lowered:
.L_overlay_start_2:
0x1ac: {  	(tag) =	ssettag $0x2  }
0x1ad: {  	s0 =	rddreg [dreg:$0x0];
	s2 =	stileid.u32  }
0x1ae: {  	s1 =	rddreg [dreg:$0x1];
	p0 =	sne.s32 s2, $0x0  }
0x1af: {  	s3 =	rddreg [dreg:$0x2];
	[bflag:$0x3] =	sbarrier.arrive $0xFFFF;
	s2 =	simm.s32 @!p0 $0x1C05  }
0x1b0: {  	[timem:s3], [sflag:s2] =	dma.local @!p0 [hbm:s0], s1  }
0x1b1: {  	s0 =	simm.s32 @!p0 $0x5  }
0x1b2: {  	_ =	swait.ge @!p0 [sflag:s0], s1  }
0x1b3: {  	s1 =	ssub.s32 @!p0 $0x0, s1;
	[sflag:s0] =	ssyncset.done @!p0 $0x0  }
0x1b4: {  	[sflag:s0] =	ssyncadd.s32 @!p0 s1  }
0x1b5: {  	[bflag:$0x3] =	sbarrier.arrive $0xFFFF  }
0x1b6: {  	_ =	shalt  }

// kernel: sparse-core-data-format-call.cloned.1.call-start
scs
called_computation_lowered:
.L_overlay_start_0:
0x0: {  	s2 =	sld [smem:$0x3FD9]  }
0x1: {  	s3 =	sld [smem:$0x3FFE];
	_ =	sdelay $0x1  }
0x2: {  	s1 =	srdreg.scid  }
0x3: {  	s0 =	sand.u32 $0x1, s1  }
0x4: {  	s18 =	sshll.u32 s0, $0xA;
	s2 =	sadd.s32 s3, s2  }
0x5: {  	s2 =	sadd.s32 s2, s18  }
0x6: {  	[smem:$0x3FC5] =	sst s2  }
0x7: {  	_ = 	snop  }
0x8: {  	s2 =	sld [smem:$0x3FD0];
	(tm) =	ssettm $0x1  }
0x9: {  	s19 =	sld [smem:$0x3FFB];
	_ =	sdelay $0x3  }
0xa: {  	_ =	strace s19  }
0xb: {  	s3 =	sld [smem:$0x3FFC];
	_ =	sdelay $0x3  }
0xc: {  	_ =	strace s3  }
0xd: {  	s3 =	sld [smem:$0x3FFD];
	_ =	sdelay $0x3  }
0xe: {  	_ =	strace s3  }
0xf: {  	_ =	strace $0x8FFFFFFF  }
0x10: {  	s20 =	sld [smem:$0x3FDB];
	_ =	sdelay $0x1  }
0x11: {  	s4 =	simm.s32 $_scs_section_size  }
0x12: {  	s5 =	simm.s32 $_size__tile_overlayer_lowered;
	s6 =	simm.s32 $_tile_overlayer_lowered  }
0x13: {  	s23 =	simm.s32 $0x1BFF;
	s22 =	sshll.u32 s6, $0x1;
	s3 =	sadd.s32 s4, s20  }
0x14: {  	s7 =	simm.s32 $0x0;
	s21 =	sshll.u32 s5, $0x1;
	s5 =	sadd.s32 s22, s3  }
0x15: {  	[timem:s7], [sflag:s23] =	dma.local [hbm:s5], s21  }
0x16: {  	_ =	swait.ge [sflag:s23], s21  }
0x17: {  	s4 =	ssub.s32 $0x0, s21;
	[sflag:s23] =	ssyncset.done $0x0  }
0x18: {  	[sflag:s23] =	ssyncadd.s32 s4;
	_ =	sdelay $0x1  }
0x19: {  	s24 =	simm.s32 $0x1B8B  }
0x1a: {  	_ =	swait.ge [sflag:s24], $0x1  }
0x1b: {  	[sflag:s24] =	ssyncset.done $0x0  }
0x1c: {  	s26 =	simm.s32 $0x1B8E;
	s25 =	sld [smem:$0x3FFE];
	[sflag:s24] =	ssyncadd.s32 $0xFFFFFFFF  }
0x1d: {  	s27 =	simm.s32 $execute0_lowered;
	[smem:$0x3FD2] =	sst s26  }
0x1e: {  	s5 =	sshll.u32 s27, $0x1;
	_ =	strace $0x80000049;
	[dreg:$0x1] =	wrdreg $0xFFFFFFFF  }
0x1f: {  	s28 =	simm.s32 $_size_execute0_lowered;
	s3 =	sadd.s32 s3, s5;
	[dreg:$0x0] =	wrdreg $0x0  }
0x20: {  	s5 =	sshll.u32 s28, $0x1;
	[dreg:$0x2] =	wrdreg s3  }
0x21: {  	[dreg:$0x3] =	wrdreg s5  }
0x22: {  	[dreg:$0x4] =	wrdreg $0xC0  }
0x23: {  	_ =	task [dreg:s7], $0x5FFFF  }
0x24: {  	[dreg:$0x1] =	wrdreg $0xFFFFFFFF  }
0x25: {  	[dreg:$0x0] =	wrdreg $0x60  }
0x26: {  	[dreg:$0x2] =	wrdreg s25  }
0x27: {  	[dreg:$0x3] =	wrdreg s2  }
0x28: {  	[dreg:$0x4] =	wrdreg $0x9  }
0x29: {  	_ =	task.clear_ibuf [dreg:s7], $0x5FFFF;
	_ =	strace $0x90000049  }
0x2a: {  	s29 =	simm.s32 $0x9;
	_ =	strace $0x8000004B  }
0x2b: {  	_ =	swait.ge [sflag:s29], $0x1  }
0x2c: {  	[sflag:s29] =	ssyncadd.s32 $0xFFFFFFFF  }
0x2d: {  	_ =	strace $0x9000004B  }
0x2e: {  	_ =	sfence  }
0x2f: {  	s30 =	sld [smem:$0x0];
	_ =	sdelay $0x2  }
0x30: {  	s31 =	sshll.u32 s1, $0xD;
	s1 =	sshrl.u32 s1, $0x2  }
0x31: {  	s3 =	sand.u32 $0x4000, s31;
	s1 =	sadd.s32 s1, s30  }
0x32: {  	s0 =	sor.u32 s3, s0;
	s1 =	sshll.u32 s1, $0x11  }
0x33: {  	s0 =	sor.u32 s1, s0  }
0x34: {  	s0 =	sadd.s32 $0x8F2B, s0  }
0x35: {  	[sflag:s0] =	ssyncadd.remote.s32 $0x1  }
0x36: {  	_ =	sfence.sel $0xFFFF  }
0x37: {  	[dreg:$0x0] =	wrdreg $0xFFFFFFFF;
	(pc) =	sbr.abs _section_cstart, $3  }
0x38: {  	[dreg:$0x1] =	wrdreg $0xFFFFFFFF  }
0x39: {  	_ =	task.clear_ibuf [dreg:s7], $0x2FFFF;
	_ =	strace $0x9FFFFFFF  }
0x3a: {  	(tm) =	ssettm $0x7FFFFFFF  }
0x3b: {  	_ =	shalt  }
tec
execute0_lowered:
.L_overlay_start_1:
0x0: {  	(tag) =	ssettag $0x1  }
0x1: {  	s0 =	srdreg.scid  }
0x2: {  	s1 =	sshll.u32 s0, $0x4  }
0x3: {  	s0 =	stileid.u32;
	s1 =	sand.u32 $0x10, s1  }
0x4: {  	s1 =	sor.u32 s0, s1  }
0x5: {  	s6 =	rddreg [dreg:$0x0];
	s4 =	simm.s32 $0x1;
	s2 =	sshll.u32 s1, $0x7  }
0x6: {  	s7 =	simm.s32 $0x2;
	s12 =	simm.s32 $0x0;
	s1 =	ssub.s32 $0x4000, s2  }
0x7: {  	s8 =	simm.s32 $0x20000;
	s13 =	simm.s32 $0x0;
	s3 =	sand.u32 $0xF80, s1  }
0x8: {  	s9 =	simm.s32 $0x0;
	s5 =	sshrl.u32 s1, $0xC;
	p0 =	sne.s32 s3, $0x0  }
.Ltmp0:
0x9: {  	s1 =	rddreg [dreg:$0x2];
	s4 =	simm.s32 @!p0 $0x0;
	(pc) =	sbr.rel .LBB1_1-.Ltmp0, $4  }
0xa: {  	s11 =	simm.s32 $0x0;
	s3 =	rddreg [dreg:$0x1];
	s5 =	sadd.s32 s4, s5  }
0xb: {  	_ =	strace $0x8000004A;
	s4 =	simm.s32 $0x1;
	s5 =	smul.u32 $0xC8, s5  }
0xc: {  	s6 =	sadd.s32 $0x800, s6;
	s10 =	smov.u32 s2;
	[sflag:s4] =	ssyncpa.u1 $0x0  }
0xd: {  	p0 =	por $0x0, $0x0;
	[sflag:s7] =	ssyncpa.u1 $0x0;
	s7 =	sor.u32 $0x1, s5  }
.LBB1_4:
0xe: {  	s16 =	sshll.u32 s13, $0x3;
	s17 =	sand.u32 $0x78, s13  }
0xf: {  	s30 =	sand.u32 $0x7800, s13;
	s12 =	sshll.u32 s12, $0xF;
	s16 =	sand.u32 $0x3C00, s16  }
0x10: {  	s31 =	sand.u32 $0x7, s13;
	s16 =	sor.u32 s17, s16;
	s17 =	sadd.s32 s3, s30  }
0x11: {  	s13 =	sshll.u32 s31, $0x12;
	s16 =	sshrl.u32 s16, $0x3;
	s12 =	sadd.s32 s12, s17  }
0x12: {  	[tilespmem:s15+$0x0 ss:$0x81] =	vst.msk $0xffff, v1;
	s13 =	sor.u32 $0x400, s13;
	s12 =	sadd.s32 s16, s12  }
0x13: {  	[hbm4b:s12+s13] =	stream.strided.scatter [tilespmem:s14], [sflag:$0x2], $0x800, s8, s13, $0x20;
	[tilespmem:$0x2020] =	vst v63  }
.LBB1_5:
0x14: {  	s14 =	sadd.s32 $0x1, s9  }
0x15: {  	s12 =	sadd.s32 $0x1000, s10;
	s16 =	smov.u32 s10;
	p2 =	sgt.s32 s14, $0xC7  }
0x16: {  	s16 =	smov.u32 @p2 s12  }
0x17: {  	s14 =	simm.s32 @p2 $0x0;
	p2 =	sgt.s32 s16, $0x3FFF  }
0x18: {  	s16 =	smov.u32 @p2 s2;
	p2 =	sne.s32 s11, s7  }
.Ltmp1:
0x19: {  	p1 =	slt.u32 s11, $0x2;
	(pc) =	sbr.rel @!p2 .LBB1_6-.Ltmp1, $4  }
0x1a: {  	s15 =	simm.s32 @!p1 $0x2  }
0x1b: {  	s13 =	smov.u32 s10;
	p0 =	por !p0, !p0;
	_ =	swait.ge @!p1 [sflag:s15], $0x800  }
0x1c: {  	s12 =	smov.u32 s9;
	[sflag:s15] =	ssyncset.done @!p1 $0x0;
	s9 =	smov.u32 s14  }
0x1d: {  	s11 =	sadd.s32 $0x1, s11;
	[sflag:s15] =	ssyncadd.s32 @!p1 $0xFFFFF800;
	s10 =	smov.u32 s16  }
.LBB1_1:
0x1e: {  	p1 =	sge.u32 s11, s5  }
0x1f: {  	s14 =	sand.u32 @!p1 $0x1FFFFFF, s9  }
0x20: {  	s15 =	smulhi.u32 @!p1 $0x147AE15, s14;
	_ =	sdelay $0x1  }
0x21: {  	s15 =	smul.u32 @!p1 $0xC8, s15  }
0x22: {  	s16 =	sxor.u32 @!p1 $0xFFFFFFFF, s11;
	s17 =	smul.u32 @!p1 $0xC80, s10  }
0x23: {  	s31 =	sadd.s32 $0xFFFFFFFF, s11;
	s16 =	sshll.u32 @!p1 s16, $0xB;
	s14 =	ssub.s32 @!p1 s14, s15  }
0x24: {  	s15 =	sand.u32 @!p1 $0x800, s16;
	s16 =	sadd.s32 @!p1 s6, s17;
	s14 =	sshll.u32 @!p1 s14, $0x4  }
0x25: {  	s17 =	simm.s32 @!p1 $0x6400;
	s14 =	sadd.s32 @!p1 s14, s16;
	s16 =	simm.s32 @!p1 $0x10  }
0x26: {  	[tilespmem:s15], [sflag:$0x1] =	stream.strided.gather @!p1 [hbm4b:s14+s16], $0x800, s17, s16, $0x38;
	[tilespmem:$0x2020] =	vst v63  }
0x27: {  	p1 =	sge.u32 s31, s5  }
.Ltmp2:
0x28: {  	_ = 	snop;
	(pc) =	sbr.rel @p1 .LBB1_5-.Ltmp2, $1  }
0x29: {  	_ =	sdelay $0x3  }
0x2a: {  	s14 =	simm.s32 $0x1  }
0x2b: {  	s14 =	simm.s32 @!p0 $0x0  }
0x2c: {  	s15 =	sshll.u32 s14, $0xB  }
0x2d: {  	v0 =	vmov s15;
	_ =	sdelay $0x1  }
0x2e: {  	_ =	swait.ge [sflag:s4], $0x800  }
0x2f: {  	s31 =	sand.u32 $0x1, s11;
	[sflag:s4] =	ssyncset.done $0x0  }
0x30: {  	s17 =	simm.s32 $0x0;
	s14 =	smul.u32 $0x2040, s14;
	[sflag:s4] =	ssyncadd.s32 $0xFFFFF800  }
0x31: {  	s15 =	smul.u32 $0x2040, s31;
	v1 =	vld.idx.msk [tilespmem:v0+s17+$0x0 ss:$0x1], $0xffff;
	_ =	sdelay $0x1  }
0x32: {  	s14 =	sshrl.u32 s14, $0x2;
	s16 =	sshrl.u32 s15, $0x2  }
0x33: {  	s15 =	sor.u32 $0x1000, s14;
	s14 =	sor.u32 $0x1000, s16;
	s16 =	simm.s32 $0x40  }
.LBB1_3:
0x34: {  	s17 =	sshra.s32 s16, $0x2;
	p1 =	sne.s32 s16, $0x1FC0;
	s16 =	sadd.s32 $0x40, s16  }
.Ltmp3:
0x35: {  	[tilespmem:s15+$0x0 ss:$0x81] =	vst.msk $0xffff, v1;
	v1 =	vld.idx.msk [tilespmem:v0+s17+$0x0 ss:$0x1], $0xffff;
	(pc) =	sbr.rel @p1 .LBB1_3-.Ltmp3, $2  }
0x36: {  	_ =	sdelay $0x2  }
0x37: {  	s15 =	sadd.s32 $0x1, s15  }
.Ltmp4:
0x38: {  	_ = 	snop;
	(pc) =	sbr.rel .LBB1_4-.Ltmp4, $1  }
0x39: {  	_ =	sdelay $0x3  }
.LBB1_6:
0x3a: {  	_ =	sfence.sel $0x180000  }
0x3b: {  	s2 =	simm.s32 $0x1;
	[bflag:$0x0] =	sbarrier.arrive $0xFFFF  }
0x3c: {  	s31 =	simm.s32 $0x2;
	[sflag:s2] =	ssyncpa.u1 $0x1  }
0x3d: {  	[sflag:s31] =	ssyncpa.u1 $0x1  }
0x3e: {  	p0 =	sne.s32 s0, $0x0;
	_ =	strace $0x9000004A  }
0x3f: {  	s0 =	sadd.s32 @!p0 $0x100000, s1;
	[bflag:$0x2] =	sbarrier.arrive $0xFFFF  }
0x40: {  	[sflag:s0] =	ssyncadd.tile.s32 @!p0 $0x1;
	_ =	shalt  }
.Lfunc_end1:
_tile_overlayer_lowered:
.L_overlay_start_2:
0x41: {  	(tag) =	ssettag $0x2  }
0x42: {  	s0 =	rddreg [dreg:$0x0];
	s2 =	stileid.u32  }
0x43: {  	s1 =	rddreg [dreg:$0x1];
	p0 =	sne.s32 s2, $0x0  }
0x44: {  	s3 =	rddreg [dreg:$0x2];
	[bflag:$0x3] =	sbarrier.arrive $0xFFFF;
	s2 =	simm.s32 @!p0 $0x1C01  }
0x45: {  	[timem:s3], [sflag:s2] =	dma.local @!p0 [hbm:s0], s1  }
0x46: {  	s0 =	simm.s32 @!p0 $0x1  }
0x47: {  	_ =	swait.ge @!p0 [sflag:s0], s1  }
0x48: {  	s1 =	ssub.s32 @!p0 $0x0, s1;
	[sflag:s0] =	ssyncset.done @!p0 $0x0  }
0x49: {  	[sflag:s0] =	ssyncadd.s32 @!p0 s1  }
0x4a: {  	[bflag:$0x3] =	sbarrier.arrive $0xFFFF  }
0x4b: {  	_ =	shalt  }

</sc_bundles>
